<compile_context>
chip_gen: v7x
topology: tpu7x:2x2x1
jax: 0.10.2.dev20260603
libtpu: 0.0.44.dev20260713+nightly
codegen_flags: <defaults>
</compile_context>

<pallas_src>
import jax
import jax.numpy as jnp
from jax import lax
from jax.experimental import pallas as pl
from jax.experimental.pallas import tpu as pltpu
from jax.experimental.pallas import tpu_sc as plsc

B, S, D = 4, 2048, 768
N = B * S
EPS = 1e-12

_info = plsc.get_sparse_core_info()
NC, NS = _info.num_cores, _info.num_subcores
NW = NC * NS
TOK_PER_W = N // NW
CHUNK = 32
NCHUNK = TOK_PER_W // CHUNK
NBUF = 4
AHEAD = 2


def _sc_gather(word_hbm, ids_hbm, out_hbm, idx_v, *rest):
    bufs = rest[:NBUF]
    gsems = rest[NBUF:2 * NBUF]
    ssems = rest[2 * NBUF:3 * NBUF]
    wid = lax.axis_index("s") * NC + lax.axis_index("c")
    base = wid * TOK_PER_W
    w_per_row = S // TOK_PER_W
    pltpu.sync_copy(
        ids_hbm.at[wid // w_per_row,
                   pl.ds((wid % w_per_row) * TOK_PER_W, TOK_PER_W)], idx_v)

    def gather(k):
        return pltpu.async_copy(
            word_hbm.at[idx_v.at[pl.ds(k * CHUNK, CHUNK)]], bufs[k % NBUF],
            gsems[k % NBUF])

    gathers = [None] * NCHUNK
    scatters = [None] * NCHUNK
    waited = [False] * NCHUNK
    for k in range(min(AHEAD, NCHUNK)):
        gathers[k] = gather(k)
    for j in range(NCHUNK):
        k = j + AHEAD
        if k < NCHUNK:
            if k - NBUF >= 0:
                scatters[k - NBUF].wait()
                waited[k - NBUF] = True
            gathers[k] = gather(k)
        gathers[j].wait()
        scatters[j] = pltpu.async_copy(
            bufs[j % NBUF], out_hbm.at[pl.ds(base + j * CHUNK, CHUNK)],
            ssems[j % NBUF])
    for j in range(NCHUNK):
        if not waited[j]:
            scatters[j].wait()


def _gather_rows(word_embeddings, ids):
    mesh = plsc.VectorSubcoreMesh(core_axis_name="c", subcore_axis_name="s")
    return pl.kernel(
        _sc_gather,
        mesh=mesh,
        out_type=jax.ShapeDtypeStruct((N, D), jnp.float32),
        scratch_types=[pltpu.VMEM((TOK_PER_W,), jnp.int32)]
        + [pltpu.VMEM((CHUNK, D), jnp.float32) for _ in range(NBUF)]
        + [pltpu.SemaphoreType.DMA for _ in range(2 * NBUF)],
    )(word_embeddings, ids)


def _tc_epilogue(g_ref, p_ref, tt_tab_ref, tt_ref, gamma_ref, beta_ref, o_ref):
    x = g_ref[...] + p_ref[...]
    tt = tt_ref[0].astype(jnp.float32)
    row0 = tt_tab_ref[0:1, :]
    row1 = tt_tab_ref[1:2, :]
    x = x + row0 + tt * (row1 - row0)
    mean = jnp.mean(x, axis=-1, keepdims=True)
    d = x - mean
    var = jnp.mean(d * d, axis=-1, keepdims=True)
    o_ref[...] = (d * lax.rsqrt(var + EPS) * gamma_ref[...][None, :]
                  + beta_ref[...][None, :])


def _epilogue(gathered, position_embeddings, token_type_embeddings, tt_ids,
              ln_gamma, ln_beta):
    tt3 = tt_ids.reshape(B, S, 1).astype(jnp.int8)
    return pl.pallas_call(
        _tc_epilogue,
        grid=(B,),
        in_specs=[
            pl.BlockSpec((S, D), lambda b: (b, 0)),
            pl.BlockSpec((S, D), lambda b: (0, 0)),
            pl.BlockSpec((2, D), lambda b: (0, 0)),
            pl.BlockSpec((1, S, 1), lambda b: (b, 0, 0)),
            pl.BlockSpec((D,), lambda b: (0,)),
            pl.BlockSpec((D,), lambda b: (0,)),
        ],
        out_specs=pl.BlockSpec((S, D), lambda b: (b, 0)),
        out_shape=jax.ShapeDtypeStruct((N, D), jnp.float32),
        input_output_aliases={0: 0},
    )(gathered, position_embeddings, token_type_embeddings, tt3,
      ln_gamma, ln_beta)


def kernel(input_ids, token_type_ids, word_embeddings, position_embeddings,
           token_type_embeddings, ln_gamma, ln_beta):
    ids = input_ids.astype(jnp.int32)
    tt_ids = token_type_ids.astype(jnp.int32)
    g = _gather_rows(word_embeddings, ids)
    out = _epilogue(g, position_embeddings, token_type_embeddings, tt_ids,
                    ln_gamma, ln_beta)
    return out.reshape(B, S, D)

# --- scband reference (transcript-rebuilt; emitter-appended) ---
"""Pipeline reference for scband-ne-zha-embeddings-55551107007178 (READ-ONLY COPY).

The authoritative reference and input builder live on the scoring server;
editing this copy changes nothing except your own understanding.
"""

import jax, jax.numpy as jnp
import numpy as np

B, S, D = 4, 2048, 768
VOCAB = 100000
MAX_POS = 2048
TYPE_VOCAB = 2
EPS = 1e-12

def setup_inputs(seed: int = 0) -> dict:
    key = jax.random.key(seed)
    k1, k2, k3, k4, k5 = jax.random.split(key, 5)
    input_ids = jax.random.randint(k1, (B, S), 0, VOCAB, dtype=jnp.int64 if jax.config.jax_enable_x64 else jnp.int32)
    token_type_ids = jax.random.randint(k2, (B, S), 0, TYPE_VOCAB, dtype=input_ids.dtype)
    word_embeddings = jax.random.normal(k3, (VOCAB, D), dtype=jnp.float32) * 0.02
    position_embeddings = jax.random.normal(k4, (MAX_POS, D), dtype=jnp.float32) * 0.02
    token_type_embeddings = jax.random.normal(k5, (TYPE_VOCAB, D), dtype=jnp.float32) * 0.02
    ln_gamma = jnp.ones((D,), dtype=jnp.float32)
    ln_beta = jnp.zeros((D,), dtype=jnp.float32)
    return {"input_ids": input_ids, "token_type_ids": token_type_ids,
            "word_embeddings": word_embeddings, "position_embeddings": position_embeddings,
            "token_type_embeddings": token_type_embeddings, "ln_gamma": ln_gamma, "ln_beta": ln_beta}

def _layer_norm(x, gamma, beta, eps=EPS):
    mean = jnp.mean(x, axis=-1, keepdims=True)
    var = jnp.mean(jnp.square(x - mean), axis=-1, keepdims=True)
    return (x - mean) / jnp.sqrt(var + eps) * gamma + beta

def reference(input_ids, token_type_ids, word_embeddings, position_embeddings, token_type_embeddings, ln_gamma, ln_beta):
    seq_length = input_ids.shape[1]
    position_ids = jnp.arange(seq_length, dtype=input_ids.dtype)
    position_ids = jnp.broadcast_to(position_ids[None, :], input_ids.shape)
    words_embeddings = jnp.take(word_embeddings, input_ids, axis=0)
    embeddings = words_embeddings
    pos_emb = jnp.take(position_embeddings, position_ids, axis=0)
    embeddings = embeddings + pos_emb
    tok_emb = jnp.take(token_type_embeddings, token_type_ids, axis=0)
    embeddings = embeddings + tok_emb
    embeddings = _layer_norm(embeddings, ln_gamma, ln_beta)
    # dropout is identity in eval mode
    return embeddings

if __name__ == "__main__":
    import jax
    _d = setup_inputs()
    print(jax.jit(kernel)(*tuple(_d.values())))

</pallas_src>

<mosaic_0001>
#map = affine_map<(d0, d1) -> (0, 0)>
module attributes {stable_mosaic.version = 14 : i64} {
  func.func @_sc_gather(%arg0: i32, %arg1: i32, %arg2: memref<100000x768xf32, #tpu.memory_space<hbm>>, %arg3: memref<4x2048xi32, #tpu.memory_space<hbm>>, %arg4: memref<8192x768xf32, #tpu.memory_space<hbm>>, %arg5: memref<256xi32, #tpu.memory_space<vmem>>, %arg6: memref<32x768xf32, #tpu.memory_space<vmem>>, %arg7: memref<32x768xf32, #tpu.memory_space<vmem>>, %arg8: memref<32x768xf32, #tpu.memory_space<vmem>>, %arg9: memref<32x768xf32, #tpu.memory_space<vmem>>, %arg10: memref<!tpu.dma_semaphore, #tpu.memory_space<semaphore_mem>>, %arg11: memref<!tpu.dma_semaphore, #tpu.memory_space<semaphore_mem>>, %arg12: memref<!tpu.dma_semaphore, #tpu.memory_space<semaphore_mem>>, %arg13: memref<!tpu.dma_semaphore, #tpu.memory_space<semaphore_mem>>, %arg14: memref<!tpu.dma_semaphore, #tpu.memory_space<semaphore_mem>>, %arg15: memref<!tpu.dma_semaphore, #tpu.memory_space<semaphore_mem>>, %arg16: memref<!tpu.dma_semaphore, #tpu.memory_space<semaphore_mem>>, %arg17: memref<!tpu.dma_semaphore, #tpu.memory_space<semaphore_mem>>) attributes {dimension_semantics = [#tpu.dimension_semantics<core_parallel>, #tpu.dimension_semantics<subcore_parallel>], iteration_bounds = array<i64: 2, 16>, scalar_prefetch = 0 : i64, scratch_operands = 13 : i64, tpu.core_type = #tpu.core_type<sc_vector_subcore>, window_params = [{transform_indices = #map}, {transform_indices = #map}, {transform_indices = #map}]} {
    %mul3A = arith.constant 2 : i32
    %mul3A_0 = arith.muli %arg1, %mul3A : i32
    %add3A = arith.addi %mul3A_0, %arg0 : i32
    %mul3A_1 = arith.constant 256 : i32
    %mul3A_2 = arith.muli %add3A, %mul3A_1 : i32
    %jit3A = arith.constant 8 : i32
    %div3A = arith.divsi %add3A, %jit3A : i32
    %sign3A = arith.constant 0 : i32
    %sign3A_3 = arith.cmpi sgt, %add3A, %sign3A : i32
    %sign3A_4 = arith.extui %sign3A_3 : i1 to i32
    %sign3A_5 = arith.constant 0 : i32
    %sign3A_6 = arith.cmpi slt, %add3A, %sign3A_5 : i32
    %sign3A_7 = arith.extui %sign3A_6 : i1 to i32
    %sign3A_8 = arith.subi %sign3A_4, %sign3A_7 : i32
    %sign3A_9 = arith.constant 0 : i32
    %sign3A_10 = arith.cmpi sgt, %jit3A, %sign3A_9 : i32
    %sign3A_11 = arith.extui %sign3A_10 : i1 to i32
    %sign3A_12 = arith.constant 0 : i32
    %sign3A_13 = arith.cmpi slt, %jit3A, %sign3A_12 : i32
    %sign3A_14 = arith.extui %sign3A_13 : i1 to i32
    %sign3A_15 = arith.subi %sign3A_11, %sign3A_14 : i32
    %ne3A = arith.cmpi ne, %sign3A_8, %sign3A_15 : i32
    %rem3A = arith.remsi %add3A, %jit3A : i32
    %ne3A_16 = arith.constant 0 : i32
    %ne3A_17 = arith.cmpi ne, %rem3A, %ne3A_16 : i32
    %and3A = arith.andi %ne3A, %ne3A_17 : i1
    %sub3A = arith.constant 1 : i32
    %sub3A_18 = arith.subi %div3A, %sub3A : i32
    %select_n3A = arith.select %and3A, %sub3A_18, %div3A : i32
    %jit3A_19 = arith.constant 8 : i32
    %eq3A = arith.constant 0 : i32
    %eq3A_20 = arith.cmpi eq, %jit3A_19, %eq3A : i32
    %jit3A_21 = arith.constant 1 : i32
    %select_n3A_22 = arith.select %eq3A_20, %jit3A_21, %jit3A_19 : i32
    %rem3A_23 = arith.remsi %add3A, %select_n3A_22 : i32
    %ne3A_24 = arith.constant 0 : i32
    %ne3A_25 = arith.cmpi ne, %rem3A_23, %ne3A_24 : i32
    %lt3A = arith.constant 0 : i32
    %lt3A_26 = arith.cmpi slt, %rem3A_23, %lt3A : i32
    %lt3A_27 = arith.constant 0 : i32
    %lt3A_28 = arith.cmpi slt, %select_n3A_22, %lt3A_27 : i32
    %ne3A_29 = arith.xori %lt3A_26, %lt3A_28 : i1
    %and3A_30 = arith.andi %ne3A_29, %ne3A_25 : i1
    %add3A_31 = arith.addi %rem3A_23, %select_n3A_22 : i32
    %select_n3A_32 = arith.select %and3A_30, %add3A_31, %rem3A_23 : i32
    %mul3A_33 = arith.constant 256 : i32
    %mul3A_34 = arith.muli %select_n3A_32, %mul3A_33 : i32
    "tpu.region"() ({
      %run_scoped3A = tpu.sem_alloc : memref<!tpu.dma_semaphore, #tpu.memory_space<semaphore_mem>>
      %dma_start3A_193 = tpu.memref_slice %arg3[%select_n3A, %mul3A_34] : memref<4x2048xi32, #tpu.memory_space<hbm>> -> memref<1x256xi32, #tpu.memory_space<hbm>>
      %dma_start3A_194 = tpu.memref_squeeze %dma_start3A_193 : memref<1x256xi32, #tpu.memory_space<hbm>> -> memref<256xi32, #tpu.memory_space<hbm>>
      %dma_start3A_195 = tpu.memref_slice %arg3[%select_n3A, %mul3A_34] : memref<4x2048xi32, #tpu.memory_space<hbm>> -> memref<1x256xi32, #tpu.memory_space<hbm>>
      %dma_start3A_196 = tpu.memref_squeeze %dma_start3A_195 : memref<1x256xi32, #tpu.memory_space<hbm>> -> memref<256xi32, #tpu.memory_space<hbm>>
      tpu.enqueue_dma source(%dma_start3A_196 : memref<256xi32, #tpu.memory_space<hbm>>) target(%arg5 : memref<256xi32, #tpu.memory_space<vmem>>) target_semaphore(%run_scoped3A : memref<!tpu.dma_semaphore, #tpu.memory_space<semaphore_mem>>)
      %dma_wait3A_197 = tpu.memref_slice %arg3[%select_n3A, %mul3A_34] : memref<4x2048xi32, #tpu.memory_space<hbm>> -> memref<1x256xi32, #tpu.memory_space<hbm>>
      %dma_wait3A_198 = tpu.memref_squeeze %dma_wait3A_197 : memref<1x256xi32, #tpu.memory_space<hbm>> -> memref<256xi32, #tpu.memory_space<hbm>>
      %dma_wait3A_199 = tpu.memref_slice %arg3[%select_n3A, %mul3A_34] : memref<4x2048xi32, #tpu.memory_space<hbm>> -> memref<1x256xi32, #tpu.memory_space<hbm>>
      %dma_wait3A_200 = tpu.memref_squeeze %dma_wait3A_199 : memref<1x256xi32, #tpu.memory_space<hbm>> -> memref<256xi32, #tpu.memory_space<hbm>>
      tpu.wait_dma2 semaphore(%run_scoped3A : memref<!tpu.dma_semaphore, #tpu.memory_space<semaphore_mem>>) src(%dma_wait3A_200 : memref<256xi32, #tpu.memory_space<hbm>>) dst(%arg5 : memref<256xi32, #tpu.memory_space<vmem>>)
      tpu.yield
    }) : () -> ()
    %dma_start3A = arith.constant 0 : i32
    %dma_start3A_35 = tpu.memref_slice %arg5[%dma_start3A] : memref<256xi32, #tpu.memory_space<vmem>> -> memref<32xi32, #tpu.memory_space<vmem>>
    %dma_start3A_36 = arith.constant 0 : i32
    %dma_start3A_37 = arith.constant 0 : i32
    %dma_start3A_38 = tpu.memref_slice %arg2[%dma_start3A_36, %dma_start3A_37] : memref<100000x768xf32, #tpu.memory_space<hbm>> -> memref<100000x768xf32, #tpu.memory_space<hbm>>
    tpu.enqueue_indirect_dma source(%dma_start3A_38 : memref<100000x768xf32, #tpu.memory_space<hbm>>) target(%arg6 : memref<32x768xf32, #tpu.memory_space<vmem>>) offsets(%dma_start3A_35 : memref<32xi32, #tpu.memory_space<vmem>>) semaphore(%arg10 : memref<!tpu.dma_semaphore, #tpu.memory_space<semaphore_mem>>)
    %dma_start3A_39 = arith.constant 32 : i32
    %dma_start3A_40 = tpu.memref_slice %arg5[%dma_start3A_39] : memref<256xi32, #tpu.memory_space<vmem>> -> memref<32xi32, #tpu.memory_space<vmem>>
    %dma_start3A_41 = arith.constant 0 : i32
    %dma_start3A_42 = arith.constant 0 : i32
    %dma_start3A_43 = tpu.memref_slice %arg2[%dma_start3A_41, %dma_start3A_42] : memref<100000x768xf32, #tpu.memory_space<hbm>> -> memref<100000x768xf32, #tpu.memory_space<hbm>>
    tpu.enqueue_indirect_dma source(%dma_start3A_43 : memref<100000x768xf32, #tpu.memory_space<hbm>>) target(%arg7 : memref<32x768xf32, #tpu.memory_space<vmem>>) offsets(%dma_start3A_40 : memref<32xi32, #tpu.memory_space<vmem>>) semaphore(%arg11 : memref<!tpu.dma_semaphore, #tpu.memory_space<semaphore_mem>>)
    %dma_start3A_44 = arith.constant 64 : i32
    %dma_start3A_45 = tpu.memref_slice %arg5[%dma_start3A_44] : memref<256xi32, #tpu.memory_space<vmem>> -> memref<32xi32, #tpu.memory_space<vmem>>
    %dma_start3A_46 = arith.constant 0 : i32
    %dma_start3A_47 = arith.constant 0 : i32
    %dma_start3A_48 = tpu.memref_slice %arg2[%dma_start3A_46, %dma_start3A_47] : memref<100000x768xf32, #tpu.memory_space<hbm>> -> memref<100000x768xf32, #tpu.memory_space<hbm>>
    tpu.enqueue_indirect_dma source(%dma_start3A_48 : memref<100000x768xf32, #tpu.memory_space<hbm>>) target(%arg8 : memref<32x768xf32, #tpu.memory_space<vmem>>) offsets(%dma_start3A_45 : memref<32xi32, #tpu.memory_space<vmem>>) semaphore(%arg12 : memref<!tpu.dma_semaphore, #tpu.memory_space<semaphore_mem>>)
    %dma_wait3A = arith.constant 0 : i32
    %dma_wait3A_49 = tpu.memref_slice %arg5[%dma_wait3A] : memref<256xi32, #tpu.memory_space<vmem>> -> memref<32xi32, #tpu.memory_space<vmem>>
    %dma_wait3A_50 = arith.constant 0 : i32
    %dma_wait3A_51 = arith.constant 0 : i32
    %dma_wait3A_52 = tpu.memref_slice %arg2[%dma_wait3A_50, %dma_wait3A_51] : memref<100000x768xf32, #tpu.memory_space<hbm>> -> memref<100000x768xf32, #tpu.memory_space<hbm>>
    tpu.wait_indirect_dma semaphore(%arg10 : memref<!tpu.dma_semaphore, #tpu.memory_space<semaphore_mem>>) src(%dma_wait3A_52 : memref<100000x768xf32, #tpu.memory_space<hbm>>) dst(%arg6 : memref<32x768xf32, #tpu.memory_space<vmem>>)
    %add3A_53 = arith.constant 0 : i32
    %add3A_54 = arith.addi %mul3A_2, %add3A_53 : i32
    %dma_start3A_55 = arith.constant 0 : i32
    %dma_start3A_56 = tpu.memref_slice %arg4[%add3A_54, %dma_start3A_55] : memref<8192x768xf32, #tpu.memory_space<hbm>> -> memref<32x768xf32, #tpu.memory_space<hbm>>
    %dma_start3A_57 = arith.constant 0 : i32
    %dma_start3A_58 = tpu.memref_slice %arg4[%add3A_54, %dma_start3A_57] : memref<8192x768xf32, #tpu.memory_space<hbm>> -> memref<32x768xf32, #tpu.memory_space<hbm>>
    tpu.enqueue_dma source(%arg6 : memref<32x768xf32, #tpu.memory_space<vmem>>) target(%dma_start3A_58 : memref<32x768xf32, #tpu.memory_space<hbm>>) target_semaphore(%arg14 : memref<!tpu.dma_semaphore, #tpu.memory_space<semaphore_mem>>)
    %dma_start3A_59 = arith.constant 96 : i32
    %dma_start3A_60 = tpu.memref_slice %arg5[%dma_start3A_59] : memref<256xi32, #tpu.memory_space<vmem>> -> memref<32xi32, #tpu.memory_space<vmem>>
    %dma_start3A_61 = arith.constant 0 : i32
    %dma_start3A_62 = arith.constant 0 : i32
    %dma_start3A_63 = tpu.memref_slice %arg2[%dma_start3A_61, %dma_start3A_62] : memref<100000x768xf32, #tpu.memory_space<hbm>> -> memref<100000x768xf32, #tpu.memory_space<hbm>>
    tpu.enqueue_indirect_dma source(%dma_start3A_63 : memref<100000x768xf32, #tpu.memory_space<hbm>>) target(%arg9 : memref<32x768xf32, #tpu.memory_space<vmem>>) offsets(%dma_start3A_60 : memref<32xi32, #tpu.memory_space<vmem>>) semaphore(%arg13 : memref<!tpu.dma_semaphore, #tpu.memory_space<semaphore_mem>>)
    %dma_wait3A_64 = arith.constant 32 : i32
    %dma_wait3A_65 = tpu.memref_slice %arg5[%dma_wait3A_64] : memref<256xi32, #tpu.memory_space<vmem>> -> memref<32xi32, #tpu.memory_space<vmem>>
    %dma_wait3A_66 = arith.constant 0 : i32
    %dma_wait3A_67 = arith.constant 0 : i32
    %dma_wait3A_68 = tpu.memref_slice %arg2[%dma_wait3A_66, %dma_wait3A_67] : memref<100000x768xf32, #tpu.memory_space<hbm>> -> memref<100000x768xf32, #tpu.memory_space<hbm>>
    tpu.wait_indirect_dma semaphore(%arg11 : memref<!tpu.dma_semaphore, #tpu.memory_space<semaphore_mem>>) src(%dma_wait3A_68 : memref<100000x768xf32, #tpu.memory_space<hbm>>) dst(%arg7 : memref<32x768xf32, #tpu.memory_space<vmem>>)
    %add3A_69 = arith.constant 32 : i32
    %add3A_70 = arith.addi %mul3A_2, %add3A_69 : i32
    %dma_start3A_71 = arith.constant 0 : i32
    %dma_start3A_72 = tpu.memref_slice %arg4[%add3A_70, %dma_start3A_71] : memref<8192x768xf32, #tpu.memory_space<hbm>> -> memref<32x768xf32, #tpu.memory_space<hbm>>
    %dma_start3A_73 = arith.constant 0 : i32
    %dma_start3A_74 = tpu.memref_slice %arg4[%add3A_70, %dma_start3A_73] : memref<8192x768xf32, #tpu.memory_space<hbm>> -> memref<32x768xf32, #tpu.memory_space<hbm>>
    tpu.enqueue_dma source(%arg7 : memref<32x768xf32, #tpu.memory_space<vmem>>) target(%dma_start3A_74 : memref<32x768xf32, #tpu.memory_space<hbm>>) target_semaphore(%arg15 : memref<!tpu.dma_semaphore, #tpu.memory_space<semaphore_mem>>)
    %dma_wait3A_75 = arith.constant 0 : i32
    %dma_wait3A_76 = tpu.memref_slice %arg4[%add3A_54, %dma_wait3A_75] : memref<8192x768xf32, #tpu.memory_space<hbm>> -> memref<32x768xf32, #tpu.memory_space<hbm>>
    %dma_wait3A_77 = arith.constant 0 : i32
    %dma_wait3A_78 = tpu.memref_slice %arg4[%add3A_54, %dma_wait3A_77] : memref<8192x768xf32, #tpu.memory_space<hbm>> -> memref<32x768xf32, #tpu.memory_space<hbm>>
    tpu.wait_dma2 semaphore(%arg14 : memref<!tpu.dma_semaphore, #tpu.memory_space<semaphore_mem>>) src(%arg6 : memref<32x768xf32, #tpu.memory_space<vmem>>) dst(%dma_wait3A_78 : memref<32x768xf32, #tpu.memory_space<hbm>>)
    %dma_start3A_79 = arith.constant 128 : i32
    %dma_start3A_80 = tpu.memref_slice %arg5[%dma_start3A_79] : memref<256xi32, #tpu.memory_space<vmem>> -> memref<32xi32, #tpu.memory_space<vmem>>
    %dma_start3A_81 = arith.constant 0 : i32
    %dma_start3A_82 = arith.constant 0 : i32
    %dma_start3A_83 = tpu.memref_slice %arg2[%dma_start3A_81, %dma_start3A_82] : memref<100000x768xf32, #tpu.memory_space<hbm>> -> memref<100000x768xf32, #tpu.memory_space<hbm>>
    tpu.enqueue_indirect_dma source(%dma_start3A_83 : memref<100000x768xf32, #tpu.memory_space<hbm>>) target(%arg6 : memref<32x768xf32, #tpu.memory_space<vmem>>) offsets(%dma_start3A_80 : memref<32xi32, #tpu.memory_space<vmem>>) semaphore(%arg10 : memref<!tpu.dma_semaphore, #tpu.memory_space<semaphore_mem>>)
    %dma_wait3A_84 = arith.constant 64 : i32
    %dma_wait3A_85 = tpu.memref_slice %arg5[%dma_wait3A_84] : memref<256xi32, #tpu.memory_space<vmem>> -> memref<32xi32, #tpu.memory_space<vmem>>
    %dma_wait3A_86 = arith.constant 0 : i32
    %dma_wait3A_87 = arith.constant 0 : i32
    %dma_wait3A_88 = tpu.memref_slice %arg2[%dma_wait3A_86, %dma_wait3A_87] : memref<100000x768xf32, #tpu.memory_space<hbm>> -> memref<100000x768xf32, #tpu.memory_space<hbm>>
    tpu.wait_indirect_dma semaphore(%arg12 : memref<!tpu.dma_semaphore, #tpu.memory_space<semaphore_mem>>) src(%dma_wait3A_88 : memref<100000x768xf32, #tpu.memory_space<hbm>>) dst(%arg8 : memref<32x768xf32, #tpu.memory_space<vmem>>)
    %add3A_89 = arith.constant 64 : i32
    %add3A_90 = arith.addi %mul3A_2, %add3A_89 : i32
    %dma_start3A_91 = arith.constant 0 : i32
    %dma_start3A_92 = tpu.memref_slice %arg4[%add3A_90, %dma_start3A_91] : memref<8192x768xf32, #tpu.memory_space<hbm>> -> memref<32x768xf32, #tpu.memory_space<hbm>>
    %dma_start3A_93 = arith.constant 0 : i32
    %dma_start3A_94 = tpu.memref_slice %arg4[%add3A_90, %dma_start3A_93] : memref<8192x768xf32, #tpu.memory_space<hbm>> -> memref<32x768xf32, #tpu.memory_space<hbm>>
    tpu.enqueue_dma source(%arg8 : memref<32x768xf32, #tpu.memory_space<vmem>>) target(%dma_start3A_94 : memref<32x768xf32, #tpu.memory_space<hbm>>) target_semaphore(%arg16 : memref<!tpu.dma_semaphore, #tpu.memory_space<semaphore_mem>>)
    %dma_wait3A_95 = arith.constant 0 : i32
    %dma_wait3A_96 = tpu.memref_slice %arg4[%add3A_70, %dma_wait3A_95] : memref<8192x768xf32, #tpu.memory_space<hbm>> -> memref<32x768xf32, #tpu.memory_space<hbm>>
    %dma_wait3A_97 = arith.constant 0 : i32
    %dma_wait3A_98 = tpu.memref_slice %arg4[%add3A_70, %dma_wait3A_97] : memref<8192x768xf32, #tpu.memory_space<hbm>> -> memref<32x768xf32, #tpu.memory_space<hbm>>
    tpu.wait_dma2 semaphore(%arg15 : memref<!tpu.dma_semaphore, #tpu.memory_space<semaphore_mem>>) src(%arg7 : memref<32x768xf32, #tpu.memory_space<vmem>>) dst(%dma_wait3A_98 : memref<32x768xf32, #tpu.memory_space<hbm>>)
    %dma_start3A_99 = arith.constant 160 : i32
    %dma_start3A_100 = tpu.memref_slice %arg5[%dma_start3A_99] : memref<256xi32, #tpu.memory_space<vmem>> -> memref<32xi32, #tpu.memory_space<vmem>>
    %dma_start3A_101 = arith.constant 0 : i32
    %dma_start3A_102 = arith.constant 0 : i32
    %dma_start3A_103 = tpu.memref_slice %arg2[%dma_start3A_101, %dma_start3A_102] : memref<100000x768xf32, #tpu.memory_space<hbm>> -> memref<100000x768xf32, #tpu.memory_space<hbm>>
    tpu.enqueue_indirect_dma source(%dma_start3A_103 : memref<100000x768xf32, #tpu.memory_space<hbm>>) target(%arg7 : memref<32x768xf32, #tpu.memory_space<vmem>>) offsets(%dma_start3A_100 : memref<32xi32, #tpu.memory_space<vmem>>) semaphore(%arg11 : memref<!tpu.dma_semaphore, #tpu.memory_space<semaphore_mem>>)
    %dma_wait3A_104 = arith.constant 96 : i32
    %dma_wait3A_105 = tpu.memref_slice %arg5[%dma_wait3A_104] : memref<256xi32, #tpu.memory_space<vmem>> -> memref<32xi32, #tpu.memory_space<vmem>>
    %dma_wait3A_106 = arith.constant 0 : i32
    %dma_wait3A_107 = arith.constant 0 : i32
    %dma_wait3A_108 = tpu.memref_slice %arg2[%dma_wait3A_106, %dma_wait3A_107] : memref<100000x768xf32, #tpu.memory_space<hbm>> -> memref<100000x768xf32, #tpu.memory_space<hbm>>
    tpu.wait_indirect_dma semaphore(%arg13 : memref<!tpu.dma_semaphore, #tpu.memory_space<semaphore_mem>>) src(%dma_wait3A_108 : memref<100000x768xf32, #tpu.memory_space<hbm>>) dst(%arg9 : memref<32x768xf32, #tpu.memory_space<vmem>>)
    %add3A_109 = arith.constant 96 : i32
    %add3A_110 = arith.addi %mul3A_2, %add3A_109 : i32
    %dma_start3A_111 = arith.constant 0 : i32
    %dma_start3A_112 = tpu.memref_slice %arg4[%add3A_110, %dma_start3A_111] : memref<8192x768xf32, #tpu.memory_space<hbm>> -> memref<32x768xf32, #tpu.memory_space<hbm>>
    %dma_start3A_113 = arith.constant 0 : i32
    %dma_start3A_114 = tpu.memref_slice %arg4[%add3A_110, %dma_start3A_113] : memref<8192x768xf32, #tpu.memory_space<hbm>> -> memref<32x768xf32, #tpu.memory_space<hbm>>
    tpu.enqueue_dma source(%arg9 : memref<32x768xf32, #tpu.memory_space<vmem>>) target(%dma_start3A_114 : memref<32x768xf32, #tpu.memory_space<hbm>>) target_semaphore(%arg17 : memref<!tpu.dma_semaphore, #tpu.memory_space<semaphore_mem>>)
    %dma_wait3A_115 = arith.constant 0 : i32
    %dma_wait3A_116 = tpu.memref_slice %arg4[%add3A_90, %dma_wait3A_115] : memref<8192x768xf32, #tpu.memory_space<hbm>> -> memref<32x768xf32, #tpu.memory_space<hbm>>
    %dma_wait3A_117 = arith.constant 0 : i32
    %dma_wait3A_118 = tpu.memref_slice %arg4[%add3A_90, %dma_wait3A_117] : memref<8192x768xf32, #tpu.memory_space<hbm>> -> memref<32x768xf32, #tpu.memory_space<hbm>>
    tpu.wait_dma2 semaphore(%arg16 : memref<!tpu.dma_semaphore, #tpu.memory_space<semaphore_mem>>) src(%arg8 : memref<32x768xf32, #tpu.memory_space<vmem>>) dst(%dma_wait3A_118 : memref<32x768xf32, #tpu.memory_space<hbm>>)
    %dma_start3A_119 = arith.constant 192 : i32
    %dma_start3A_120 = tpu.memref_slice %arg5[%dma_start3A_119] : memref<256xi32, #tpu.memory_space<vmem>> -> memref<32xi32, #tpu.memory_space<vmem>>
    %dma_start3A_121 = arith.constant 0 : i32
    %dma_start3A_122 = arith.constant 0 : i32
    %dma_start3A_123 = tpu.memref_slice %arg2[%dma_start3A_121, %dma_start3A_122] : memref<100000x768xf32, #tpu.memory_space<hbm>> -> memref<100000x768xf32, #tpu.memory_space<hbm>>
    tpu.enqueue_indirect_dma source(%dma_start3A_123 : memref<100000x768xf32, #tpu.memory_space<hbm>>) target(%arg8 : memref<32x768xf32, #tpu.memory_space<vmem>>) offsets(%dma_start3A_120 : memref<32xi32, #tpu.memory_space<vmem>>) semaphore(%arg12 : memref<!tpu.dma_semaphore, #tpu.memory_space<semaphore_mem>>)
    %dma_wait3A_124 = arith.constant 128 : i32
    %dma_wait3A_125 = tpu.memref_slice %arg5[%dma_wait3A_124] : memref<256xi32, #tpu.memory_space<vmem>> -> memref<32xi32, #tpu.memory_space<vmem>>
    %dma_wait3A_126 = arith.constant 0 : i32
    %dma_wait3A_127 = arith.constant 0 : i32
    %dma_wait3A_128 = tpu.memref_slice %arg2[%dma_wait3A_126, %dma_wait3A_127] : memref<100000x768xf32, #tpu.memory_space<hbm>> -> memref<100000x768xf32, #tpu.memory_space<hbm>>
    tpu.wait_indirect_dma semaphore(%arg10 : memref<!tpu.dma_semaphore, #tpu.memory_space<semaphore_mem>>) src(%dma_wait3A_128 : memref<100000x768xf32, #tpu.memory_space<hbm>>) dst(%arg6 : memref<32x768xf32, #tpu.memory_space<vmem>>)
    %add3A_129 = arith.constant 128 : i32
    %add3A_130 = arith.addi %mul3A_2, %add3A_129 : i32
    %dma_start3A_131 = arith.constant 0 : i32
    %dma_start3A_132 = tpu.memref_slice %arg4[%add3A_130, %dma_start3A_131] : memref<8192x768xf32, #tpu.memory_space<hbm>> -> memref<32x768xf32, #tpu.memory_space<hbm>>
    %dma_start3A_133 = arith.constant 0 : i32
    %dma_start3A_134 = tpu.memref_slice %arg4[%add3A_130, %dma_start3A_133] : memref<8192x768xf32, #tpu.memory_space<hbm>> -> memref<32x768xf32, #tpu.memory_space<hbm>>
    tpu.enqueue_dma source(%arg6 : memref<32x768xf32, #tpu.memory_space<vmem>>) target(%dma_start3A_134 : memref<32x768xf32, #tpu.memory_space<hbm>>) target_semaphore(%arg14 : memref<!tpu.dma_semaphore, #tpu.memory_space<semaphore_mem>>)
    %dma_wait3A_135 = arith.constant 0 : i32
    %dma_wait3A_136 = tpu.memref_slice %arg4[%add3A_110, %dma_wait3A_135] : memref<8192x768xf32, #tpu.memory_space<hbm>> -> memref<32x768xf32, #tpu.memory_space<hbm>>
    %dma_wait3A_137 = arith.constant 0 : i32
    %dma_wait3A_138 = tpu.memref_slice %arg4[%add3A_110, %dma_wait3A_137] : memref<8192x768xf32, #tpu.memory_space<hbm>> -> memref<32x768xf32, #tpu.memory_space<hbm>>
    tpu.wait_dma2 semaphore(%arg17 : memref<!tpu.dma_semaphore, #tpu.memory_space<semaphore_mem>>) src(%arg9 : memref<32x768xf32, #tpu.memory_space<vmem>>) dst(%dma_wait3A_138 : memref<32x768xf32, #tpu.memory_space<hbm>>)
    %dma_start3A_139 = arith.constant 224 : i32
    %dma_start3A_140 = tpu.memref_slice %arg5[%dma_start3A_139] : memref<256xi32, #tpu.memory_space<vmem>> -> memref<32xi32, #tpu.memory_space<vmem>>
    %dma_start3A_141 = arith.constant 0 : i32
    %dma_start3A_142 = arith.constant 0 : i32
    %dma_start3A_143 = tpu.memref_slice %arg2[%dma_start3A_141, %dma_start3A_142] : memref<100000x768xf32, #tpu.memory_space<hbm>> -> memref<100000x768xf32, #tpu.memory_space<hbm>>
    tpu.enqueue_indirect_dma source(%dma_start3A_143 : memref<100000x768xf32, #tpu.memory_space<hbm>>) target(%arg9 : memref<32x768xf32, #tpu.memory_space<vmem>>) offsets(%dma_start3A_140 : memref<32xi32, #tpu.memory_space<vmem>>) semaphore(%arg13 : memref<!tpu.dma_semaphore, #tpu.memory_space<semaphore_mem>>)
    %dma_wait3A_144 = arith.constant 160 : i32
    %dma_wait3A_145 = tpu.memref_slice %arg5[%dma_wait3A_144] : memref<256xi32, #tpu.memory_space<vmem>> -> memref<32xi32, #tpu.memory_space<vmem>>
    %dma_wait3A_146 = arith.constant 0 : i32
    %dma_wait3A_147 = arith.constant 0 : i32
    %dma_wait3A_148 = tpu.memref_slice %arg2[%dma_wait3A_146, %dma_wait3A_147] : memref<100000x768xf32, #tpu.memory_space<hbm>> -> memref<100000x768xf32, #tpu.memory_space<hbm>>
    tpu.wait_indirect_dma semaphore(%arg11 : memref<!tpu.dma_semaphore, #tpu.memory_space<semaphore_mem>>) src(%dma_wait3A_148 : memref<100000x768xf32, #tpu.memory_space<hbm>>) dst(%arg7 : memref<32x768xf32, #tpu.memory_space<vmem>>)
    %add3A_149 = arith.constant 160 : i32
    %add3A_150 = arith.addi %mul3A_2, %add3A_149 : i32
    %dma_start3A_151 = arith.constant 0 : i32
    %dma_start3A_152 = tpu.memref_slice %arg4[%add3A_150, %dma_start3A_151] : memref<8192x768xf32, #tpu.memory_space<hbm>> -> memref<32x768xf32, #tpu.memory_space<hbm>>
    %dma_start3A_153 = arith.constant 0 : i32
    %dma_start3A_154 = tpu.memref_slice %arg4[%add3A_150, %dma_start3A_153] : memref<8192x768xf32, #tpu.memory_space<hbm>> -> memref<32x768xf32, #tpu.memory_space<hbm>>
    tpu.enqueue_dma source(%arg7 : memref<32x768xf32, #tpu.memory_space<vmem>>) target(%dma_start3A_154 : memref<32x768xf32, #tpu.memory_space<hbm>>) target_semaphore(%arg15 : memref<!tpu.dma_semaphore, #tpu.memory_space<semaphore_mem>>)
    %dma_wait3A_155 = arith.constant 192 : i32
    %dma_wait3A_156 = tpu.memref_slice %arg5[%dma_wait3A_155] : memref<256xi32, #tpu.memory_space<vmem>> -> memref<32xi32, #tpu.memory_space<vmem>>
    %dma_wait3A_157 = arith.constant 0 : i32
    %dma_wait3A_158 = arith.constant 0 : i32
    %dma_wait3A_159 = tpu.memref_slice %arg2[%dma_wait3A_157, %dma_wait3A_158] : memref<100000x768xf32, #tpu.memory_space<hbm>> -> memref<100000x768xf32, #tpu.memory_space<hbm>>
    tpu.wait_indirect_dma semaphore(%arg12 : memref<!tpu.dma_semaphore, #tpu.memory_space<semaphore_mem>>) src(%dma_wait3A_159 : memref<100000x768xf32, #tpu.memory_space<hbm>>) dst(%arg8 : memref<32x768xf32, #tpu.memory_space<vmem>>)
    %add3A_160 = arith.constant 192 : i32
    %add3A_161 = arith.addi %mul3A_2, %add3A_160 : i32
    %dma_start3A_162 = arith.constant 0 : i32
    %dma_start3A_163 = tpu.memref_slice %arg4[%add3A_161, %dma_start3A_162] : memref<8192x768xf32, #tpu.memory_space<hbm>> -> memref<32x768xf32, #tpu.memory_space<hbm>>
    %dma_start3A_164 = arith.constant 0 : i32
    %dma_start3A_165 = tpu.memref_slice %arg4[%add3A_161, %dma_start3A_164] : memref<8192x768xf32, #tpu.memory_space<hbm>> -> memref<32x768xf32, #tpu.memory_space<hbm>>
    tpu.enqueue_dma source(%arg8 : memref<32x768xf32, #tpu.memory_space<vmem>>) target(%dma_start3A_165 : memref<32x768xf32, #tpu.memory_space<hbm>>) target_semaphore(%arg16 : memref<!tpu.dma_semaphore, #tpu.memory_space<semaphore_mem>>)
    %dma_wait3A_166 = arith.constant 224 : i32
    %dma_wait3A_167 = tpu.memref_slice %arg5[%dma_wait3A_166] : memref<256xi32, #tpu.memory_space<vmem>> -> memref<32xi32, #tpu.memory_space<vmem>>
    %dma_wait3A_168 = arith.constant 0 : i32
    %dma_wait3A_169 = arith.constant 0 : i32
    %dma_wait3A_170 = tpu.memref_slice %arg2[%dma_wait3A_168, %dma_wait3A_169] : memref<100000x768xf32, #tpu.memory_space<hbm>> -> memref<100000x768xf32, #tpu.memory_space<hbm>>
    tpu.wait_indirect_dma semaphore(%arg13 : memref<!tpu.dma_semaphore, #tpu.memory_space<semaphore_mem>>) src(%dma_wait3A_170 : memref<100000x768xf32, #tpu.memory_space<hbm>>) dst(%arg9 : memref<32x768xf32, #tpu.memory_space<vmem>>)
    %add3A_171 = arith.constant 224 : i32
    %add3A_172 = arith.addi %mul3A_2, %add3A_171 : i32
    %dma_start3A_173 = arith.constant 0 : i32
    %dma_start3A_174 = tpu.memref_slice %arg4[%add3A_172, %dma_start3A_173] : memref<8192x768xf32, #tpu.memory_space<hbm>> -> memref<32x768xf32, #tpu.memory_space<hbm>>
    %dma_start3A_175 = arith.constant 0 : i32
    %dma_start3A_176 = tpu.memref_slice %arg4[%add3A_172, %dma_start3A_175] : memref<8192x768xf32, #tpu.memory_space<hbm>> -> memref<32x768xf32, #tpu.memory_space<hbm>>
    tpu.enqueue_dma source(%arg9 : memref<32x768xf32, #tpu.memory_space<vmem>>) target(%dma_start3A_176 : memref<32x768xf32, #tpu.memory_space<hbm>>) target_semaphore(%arg17 : memref<!tpu.dma_semaphore, #tpu.memory_space<semaphore_mem>>)
    %dma_wait3A_177 = arith.constant 0 : i32
    %dma_wait3A_178 = tpu.memref_slice %arg4[%add3A_130, %dma_wait3A_177] : memref<8192x768xf32, #tpu.memory_space<hbm>> -> memref<32x768xf32, #tpu.memory_space<hbm>>
    %dma_wait3A_179 = arith.constant 0 : i32
    %dma_wait3A_180 = tpu.memref_slice %arg4[%add3A_130, %dma_wait3A_179] : memref<8192x768xf32, #tpu.memory_space<hbm>> -> memref<32x768xf32, #tpu.memory_space<hbm>>
    tpu.wait_dma2 semaphore(%arg14 : memref<!tpu.dma_semaphore, #tpu.memory_space<semaphore_mem>>) src(%arg6 : memref<32x768xf32, #tpu.memory_space<vmem>>) dst(%dma_wait3A_180 : memref<32x768xf32, #tpu.memory_space<hbm>>)
    %dma_wait3A_181 = arith.constant 0 : i32
    %dma_wait3A_182 = tpu.memref_slice %arg4[%add3A_150, %dma_wait3A_181] : memref<8192x768xf32, #tpu.memory_space<hbm>> -> memref<32x768xf32, #tpu.memory_space<hbm>>
    %dma_wait3A_183 = arith.constant 0 : i32
    %dma_wait3A_184 = tpu.memref_slice %arg4[%add3A_150, %dma_wait3A_183] : memref<8192x768xf32, #tpu.memory_space<hbm>> -> memref<32x768xf32, #tpu.memory_space<hbm>>
    tpu.wait_dma2 semaphore(%arg15 : memref<!tpu.dma_semaphore, #tpu.memory_space<semaphore_mem>>) src(%arg7 : memref<32x768xf32, #tpu.memory_space<vmem>>) dst(%dma_wait3A_184 : memref<32x768xf32, #tpu.memory_space<hbm>>)
    %dma_wait3A_185 = arith.constant 0 : i32
    %dma_wait3A_186 = tpu.memref_slice %arg4[%add3A_161, %dma_wait3A_185] : memref<8192x768xf32, #tpu.memory_space<hbm>> -> memref<32x768xf32, #tpu.memory_space<hbm>>
    %dma_wait3A_187 = arith.constant 0 : i32
    %dma_wait3A_188 = tpu.memref_slice %arg4[%add3A_161, %dma_wait3A_187] : memref<8192x768xf32, #tpu.memory_space<hbm>> -> memref<32x768xf32, #tpu.memory_space<hbm>>
    tpu.wait_dma2 semaphore(%arg16 : memref<!tpu.dma_semaphore, #tpu.memory_space<semaphore_mem>>) src(%arg8 : memref<32x768xf32, #tpu.memory_space<vmem>>) dst(%dma_wait3A_188 : memref<32x768xf32, #tpu.memory_space<hbm>>)
    %dma_wait3A_189 = arith.constant 0 : i32
    %dma_wait3A_190 = tpu.memref_slice %arg4[%add3A_172, %dma_wait3A_189] : memref<8192x768xf32, #tpu.memory_space<hbm>> -> memref<32x768xf32, #tpu.memory_space<hbm>>
    %dma_wait3A_191 = arith.constant 0 : i32
    %dma_wait3A_192 = tpu.memref_slice %arg4[%add3A_172, %dma_wait3A_191] : memref<8192x768xf32, #tpu.memory_space<hbm>> -> memref<32x768xf32, #tpu.memory_space<hbm>>
    tpu.wait_dma2 semaphore(%arg17 : memref<!tpu.dma_semaphore, #tpu.memory_space<semaphore_mem>>) src(%arg9 : memref<32x768xf32, #tpu.memory_space<vmem>>) dst(%dma_wait3A_192 : memref<32x768xf32, #tpu.memory_space<hbm>>)
    return
  }
}

module attributes {stable_mosaic.version = 14 : i64} {
  func.func @_tc_epilogue(%arg0: i32, %arg1: memref<2048x768xf32, #tpu.memory_space<vmem>>, %arg2: memref<2048x768xf32, #tpu.memory_space<vmem>>, %arg3: memref<2x768xf32, #tpu.memory_space<vmem>>, %arg4: memref<1x2048x1xi8, #tpu.memory_space<vmem>>, %arg5: memref<768xf32, #tpu.memory_space<vmem>>, %arg6: memref<768xf32, #tpu.memory_space<vmem>>, %arg7: memref<2048x768xf32, #tpu.memory_space<vmem>>) attributes {dimension_semantics = [#tpu.dimension_semantics<arbitrary>], iteration_bounds = array<i64: 4>, scalar_prefetch = 0 : i64, scratch_operands = 0 : i64, tpu.core_type = #tpu.core_type<tc>, window_params = [{transform_indices = @transform_0, window_bounds = array<i64: 2048, 768>}, {pipeline_mode = #tpu.pipeline_mode<synchronous>, transform_indices = @transform_1, window_bounds = array<i64: 2048, 768>}, {pipeline_mode = #tpu.pipeline_mode<synchronous>, transform_indices = @transform_2, window_bounds = array<i64: 2, 768>}, {transform_indices = @transform_3, window_bounds = array<i64: 1, 2048, 1>}, {pipeline_mode = #tpu.pipeline_mode<synchronous>, transform_indices = @transform_4, window_bounds = array<i64: 768>}, {pipeline_mode = #tpu.pipeline_mode<synchronous>, transform_indices = @transform_5, window_bounds = array<i64: 768>}, {transform_indices = @transform_6, window_bounds = array<i64: 2048, 768>}]} {
    %get3A = arith.constant 0 : index
    %get3A_0 = arith.constant 0 : index
    %get3A_1 = vector.load %arg1[%get3A, %get3A_0] : memref<2048x768xf32, #tpu.memory_space<vmem>>, vector<2048x768xf32>
    %get3A_2 = arith.constant 0 : index
    %get3A_3 = arith.constant 0 : index
    %get3A_4 = vector.load %arg2[%get3A_2, %get3A_3] : memref<2048x768xf32, #tpu.memory_space<vmem>>, vector<2048x768xf32>
    %add3A = arith.addf %get3A_1, %get3A_4 : vector<2048x768xf32>
    %get3A_5 = arith.constant 0 : index
    %get3A_6 = arith.constant 0 : index
    %get3A_7 = arith.constant 0 : index
    %get3A_8 = vector.load %arg4[%get3A_5, %get3A_6, %get3A_7] : memref<1x2048x1xi8, #tpu.memory_space<vmem>>, vector<1x2048x1xi8>
    %get3A_9 = vector.shape_cast %get3A_8 : vector<1x2048x1xi8> to vector<2048x1xi8>
    %convert_element_type3A = arith.sitofp %get3A_9 : vector<2048x1xi8> to vector<2048x1xf32>
    %get3A_10 = arith.constant 0 : index
    %get3A_11 = arith.constant 0 : index
    %get3A_12 = vector.load %arg3[%get3A_10, %get3A_11] : memref<2x768xf32, #tpu.memory_space<vmem>>, vector<1x768xf32>
    %get3A_13 = arith.constant 1 : index
    %get3A_14 = arith.constant 0 : index
    %get3A_15 = vector.load %arg3[%get3A_13, %get3A_14] : memref<2x768xf32, #tpu.memory_space<vmem>>, vector<1x768xf32>
    %add3A_16 = vector.broadcast %get3A_12 : vector<1x768xf32> to vector<2048x768xf32>
    %add3A_17 = arith.addf %add3A, %add3A_16 : vector<2048x768xf32>
    %sub3A = arith.subf %get3A_15, %get3A_12 : vector<1x768xf32>
    %mul3A = vector.broadcast %convert_element_type3A : vector<2048x1xf32> to vector<2048x768xf32>
    %mul3A_18 = vector.broadcast %sub3A : vector<1x768xf32> to vector<2048x768xf32>
    %mul3A_19 = arith.mulf %mul3A, %mul3A_18 : vector<2048x768xf32>
    %add3A_20 = arith.addf %add3A_17, %mul3A_19 : vector<2048x768xf32>
    %reduce_sum3A = arith.constant dense<0.000000e+00> : vector<2048xf32>
    %reduce_sum3A_21 = vector.multi_reduction <add>, %add3A_20, %reduce_sum3A [1] : vector<2048x768xf32> to vector<2048xf32>
    %broadcast_in_dim3A = vector.shape_cast %reduce_sum3A_21 : vector<2048xf32> to vector<2048x1xf32>
    %div3A = arith.constant 7.680000e+02 : f32
    %div3A_22 = vector.broadcast %div3A : f32 to vector<2048x1xf32>
    %div3A_23 = arith.divf %broadcast_in_dim3A, %div3A_22 : vector<2048x1xf32>
    %sub3A_24 = vector.broadcast %div3A_23 : vector<2048x1xf32> to vector<2048x768xf32>
    %sub3A_25 = arith.subf %add3A_20, %sub3A_24 : vector<2048x768xf32>
    %mul3A_26 = arith.mulf %sub3A_25, %sub3A_25 : vector<2048x768xf32>
    %reduce_sum3A_27 = arith.constant dense<0.000000e+00> : vector<2048xf32>
    %reduce_sum3A_28 = vector.multi_reduction <add>, %mul3A_26, %reduce_sum3A_27 [1] : vector<2048x768xf32> to vector<2048xf32>
    %broadcast_in_dim3A_29 = vector.shape_cast %reduce_sum3A_28 : vector<2048xf32> to vector<2048x1xf32>
    %div3A_30 = arith.constant 7.680000e+02 : f32
    %div3A_31 = vector.broadcast %div3A_30 : f32 to vector<2048x1xf32>
    %div3A_32 = arith.divf %broadcast_in_dim3A_29, %div3A_31 : vector<2048x1xf32>
    %add3A_33 = arith.constant 9.99999996E-13 : f32
    %add3A_34 = vector.broadcast %add3A_33 : f32 to vector<2048x1xf32>
    %add3A_35 = arith.addf %div3A_32, %add3A_34 : vector<2048x1xf32>
    %rsqrt3A = math.rsqrt %add3A_35 : vector<2048x1xf32>
    %mul3A_36 = vector.broadcast %rsqrt3A : vector<2048x1xf32> to vector<2048x768xf32>
    %mul3A_37 = arith.mulf %sub3A_25, %mul3A_36 : vector<2048x768xf32>
    %get3A_38 = arith.constant 0 : index
    %get3A_39 = vector.load %arg5[%get3A_38] : memref<768xf32, #tpu.memory_space<vmem>>, vector<768xf32>
    %broadcast_in_dim3A_40 = vector.shape_cast %get3A_39 : vector<768xf32> to vector<1x768xf32>
    %mul3A_41 = vector.broadcast %broadcast_in_dim3A_40 : vector<1x768xf32> to vector<2048x768xf32>
    %mul3A_42 = arith.mulf %mul3A_37, %mul3A_41 : vector<2048x768xf32>
    %get3A_43 = arith.constant 0 : index
    %get3A_44 = vector.load %arg6[%get3A_43] : memref<768xf32, #tpu.memory_space<vmem>>, vector<768xf32>
    %broadcast_in_dim3A_45 = vector.shape_cast %get3A_44 : vector<768xf32> to vector<1x768xf32>
    %add3A_46 = vector.broadcast %broadcast_in_dim3A_45 : vector<1x768xf32> to vector<2048x768xf32>
    %add3A_47 = arith.addf %mul3A_42, %add3A_46 : vector<2048x768xf32>
    %swap3A = arith.constant 0 : index
    %swap3A_48 = arith.constant 0 : index
    %swap3A_49 = vector.load %arg7[%swap3A, %swap3A_48] : memref<2048x768xf32, #tpu.memory_space<vmem>>, vector<2048x768xf32>
    tpu.vector_store %arg7[%swap3A, %swap3A_48], %add3A_47 {strides = array<i32>} : memref<2048x768xf32, #tpu.memory_space<vmem>>, vector<2048x768xf32>,
    return
  }
  func.func @transform_0(%arg0: i32) -> (i32, i32) {
    %c0_i32 = arith.constant 0 : i32
    %c0_i32_0 = arith.constant 0 : i32
    return %arg0, %c0_i32 : i32, i32
  }
  func.func @transform_1(%arg0: i32) -> (i32, i32) {
    %c0_i32 = arith.constant 0 : i32
    %c0_i32_0 = arith.constant 0 : i32
    %c0_i32_1 = arith.constant 0 : i32
    return %c0_i32, %c0_i32_0 : i32, i32
  }
  func.func @transform_2(%arg0: i32) -> (i32, i32) {
    %c0_i32 = arith.constant 0 : i32
    %c0_i32_0 = arith.constant 0 : i32
    %c0_i32_1 = arith.constant 0 : i32
    return %c0_i32, %c0_i32_0 : i32, i32
  }
  func.func @transform_3(%arg0: i32) -> (i32, i32, i32) {
    %c0_i32 = arith.constant 0 : i32
    %c0_i32_0 = arith.constant 0 : i32
    %c0_i32_1 = arith.constant 0 : i32
    return %arg0, %c0_i32, %c0_i32_0 : i32, i32, i32
  }
  func.func @transform_4(%arg0: i32) -> i32 {
    %c0_i32 = arith.constant 0 : i32
    %c0_i32_0 = arith.constant 0 : i32
    return %c0_i32 : i32
  }
  func.func @transform_5(%arg0: i32) -> i32 {
    %c0_i32 = arith.constant 0 : i32
    %c0_i32_0 = arith.constant 0 : i32
    return %c0_i32 : i32
  }
  func.func @transform_6(%arg0: i32) -> (i32, i32) {
    %c0_i32 = arith.constant 0 : i32
    %c0_i32_0 = arith.constant 0 : i32
    return %arg0, %c0_i32 : i32, i32
  }
}

</mosaic_0001>

<sc_bundles>
// kernel: kernel.4.cloned.1.call-start
scs
__scs_entry_jumppad:
0x0: {  	(pc) =	sbr.rel $0x88, $3  }
0x1: {  	(tag) =	ssettag $0x0;
	lr =	simm.s32 $0x1  }
0x2: {  	[smem:$0x3F9A] =	sst lr;
	_ =	strace $0xD0000000  }
0x3: {  	_ = 	snop  }
0x4: {  	_ = 	snop  }
0x5: {  	_ = 	snop  }
0x6: {  	_ = 	snop  }
0x7: {  	_ = 	snop  }
__scs_overlays_trampoline_lowered:
0x8: {  	[smem:$0x3FA9] =	sst s0  }
0x9: {  	[smem:$0x3FAA] =	sst s1  }
0xa: {  	[smem:$0x3FAB] =	sst s2  }
0xb: {  	[smem:$0x3FAC] =	sst s3  }
0xc: {  	[smem:$0x3FAD] =	sst s4  }
0xd: {  	[smem:$0x3FAE] =	sst s5  }
0xe: {  	[smem:$0x3FAF] =	sst s6  }
0xf: {  	[smem:$0x3FB0] =	sst s7  }
0x10: {  	[smem:$0x3FB1] =	sst s8  }
0x11: {  	[smem:$0x3FB2] =	sst s9;
	s0 =	simm.s32 @!p0 $0x0  }
0x12: {  	s1 =	sld [smem:$0x3F98];
	s0 =	simm.s32 @p0 $0x1  }
0x13: {  	[smem:$0x3FB3] =	sst s0;
	s0 =	simm.s32 @!p1 $0x0  }
0x14: {  	s2 =	sld [smem:$0x3F97];
	s0 =	simm.s32 @p1 $0x1  }
0x15: {  	[smem:$0x3FB4] =	sst s0;
	s0 =	simm.s32 @!p2 $0x0  }
0x16: {  	s3 =	sld [smem:$0x3FDB];
	s0 =	simm.s32 @p2 $0x1  }
0x17: {  	s4 =	simm.s32 $0x1BF5;
	[smem:$0x3FB6] =	sst s0  }
0x18: {  	s0 =	sld [smem:$0x3F99];
	_ =	swait.ge [sflag:s4], $0x0  }
0x19: {  	s7 =	sld [smem:$0x3F9A]  }
0x1a: {  	s8 =	sadd.s32 $0xFFFFE003, lr  }
0x1b: {  	s9 =	sadd.s32 $0xFFFFFEF7, lr;
	s5 =	simm.s32 $0xFFFFFFFF;
	p2 =	slt.u32 s8, $0xFFFFF086  }
0x1c: {  	p1 =	slt.u32 s9, $0xF7A;
	s5 =	simm.s32 @!p2 $0x0  }
0x1d: {  	s5 =	simm.s32 @p1 $0x1;
	p0 =	seq.s32 s7, s2  }
0x1e: {  	s7 =	smul.u32 @!p0 $0xF7A, s2;
	p2 =	seq.s32 @!p0 s5, $0x0  }
0x1f: {  	s9 =	smul.u32 $0xF7A, s1;
	s8 =	simm.s32 @!p0 $0x1BF5;
	p2 =	por !p2, p0  }
0x20: {  	[sflag:s8] =	ssyncset.s32 @!p0 $0xFFFFF086;
	s6 =	sadd.s32 @!p0 s3, s7;
	s7 =	simm.s32 @!p0 $0x108  }
0x21: {  	s3 =	sadd.s32 s3, s9;
	s6 =	sadd.s32 @!p0 $0x88, s6;
	s7 =	simm.s32 @p2 $0x1082  }
0x22: {  	[simem:s7], [sflag:s8] =	dma.local @!p0 [hbm:s6], $0xF7A  }
0x23: {  	s9 =	sor.u32 $0xD0000000, s2;
	s6 =	simm.s32 $0x108;
	_ =	swait.ge @!p0 [sflag:s8], $0x0  }
0x24: {  	s3 =	sadd.s32 $0x88, s3;
	s6 =	simm.s32 @!p1 $0x1082;
	[sflag:s4] =	ssyncset.s32 $0xFFFFF086  }
0x25: {  	[simem:s6], [sflag:s4] =	dma.local [hbm:s3], $0xF7A  }
0x26: {  	[smem:$0x3F9A] =	sst s1;
	(tag) =	ssettag s2;
	_ =	strace s9  }
0x27: {  	s1 =	sld [smem:$0x3FAA]  }
0x28: {  	s2 =	sld [smem:$0x3FAB]  }
0x29: {  	s4 =	sld [smem:$0x3FAD]  }
0x2a: {  	p0 =	seq.s32 s5, $0x0;
	s5 =	sld [smem:$0x3FAE]  }
0x2b: {  	s6 =	sld [smem:$0x3FAF]  }
0x2c: {  	s7 =	sld [smem:$0x3FB0]  }
0x2d: {  	s3 =	simm.s32 $0x108;
	s8 =	sld [smem:$0x3FB1]  }
0x2e: {  	s3 =	simm.s32 @!p0 $0x1082;
	s9 =	sld [smem:$0x3FB2]  }
0x2f: {  	lr =	sadd.s32 s0, s3;
	s0 =	sld [smem:$0x3FA9]  }
0x30: {  	s3 =	sld [smem:$0x3FAC]  }
0x31: {  	[smem:$0x3FB5] =	sst s10  }
0x32: {  	s10 =	sld [smem:$0x3FB3];
	_ =	sdelay $0x3  }
0x33: {  	p0 =	seq.s32 s10, $0x1;
	s10 =	sld [smem:$0x3FB5];
	_ =	sdelay $0x3  }
0x34: {  	[smem:$0x3FB5] =	sst s10  }
0x35: {  	s10 =	sld [smem:$0x3FB4];
	_ =	sdelay $0x3  }
0x36: {  	p1 =	seq.s32 s10, $0x1;
	s10 =	sld [smem:$0x3FB5];
	_ =	sdelay $0x3  }
0x37: {  	[smem:$0x3FB5] =	sst s10  }
0x38: {  	s10 =	sld [smem:$0x3FB6]  }
0x39: {  	_ = 	snop;
	(pc) =	sbr.ind lr, $3  }
0x3a: {  	_ = 	snop  }
0x3b: {  	_ = 	snop  }
0x3c: {  	p2 =	seq.s32 s10, $0x1;
	s10 =	sld [smem:$0x3FB5]  }
0x3d: {  	_ =	shalt  }
0x3e: {  	_ =	shalt  }
0x3f: {  	_ =	shalt  }
0x40: {  	_ =	shalt  }
0x41: {  	_ =	shalt  }
0x42: {  	_ =	shalt  }
0x43: {  	_ =	shalt  }
0x44: {  	_ =	shalt  }
0x45: {  	_ =	shalt  }
0x46: {  	_ =	shalt  }
0x47: {  	_ =	shalt  }
0x48: {  	_ =	shalt  }
0x49: {  	_ =	shalt  }
0x4a: {  	_ =	shalt  }
0x4b: {  	_ =	shalt  }
0x4c: {  	_ =	shalt  }
0x4d: {  	_ =	shalt  }
0x4e: {  	_ =	shalt  }
0x4f: {  	_ =	shalt  }
0x50: {  	_ =	shalt  }
0x51: {  	_ =	shalt  }
0x52: {  	_ =	shalt  }
0x53: {  	_ =	shalt  }
0x54: {  	_ =	shalt  }
0x55: {  	_ =	shalt  }
0x56: {  	_ =	shalt  }
0x57: {  	_ =	shalt  }
0x58: {  	_ =	shalt  }
0x59: {  	_ =	shalt  }
0x5a: {  	_ =	shalt  }
0x5b: {  	_ =	shalt  }
0x5c: {  	_ =	shalt  }
0x5d: {  	_ =	shalt  }
0x5e: {  	_ =	shalt  }
0x5f: {  	_ =	shalt  }
0x60: {  	_ =	shalt  }
0x61: {  	_ =	shalt  }
0x62: {  	_ =	shalt  }
0x63: {  	_ =	shalt  }
0x64: {  	_ =	shalt  }
0x65: {  	_ =	shalt  }
0x66: {  	_ =	shalt  }
0x67: {  	_ =	shalt  }
0x68: {  	_ =	shalt  }
0x69: {  	_ =	shalt  }
0x6a: {  	_ =	shalt  }
0x6b: {  	_ =	shalt  }
0x6c: {  	_ =	shalt  }
0x6d: {  	_ =	shalt  }
0x6e: {  	_ =	shalt  }
0x6f: {  	_ =	shalt  }
0x70: {  	_ =	shalt  }
0x71: {  	_ =	shalt  }
0x72: {  	_ =	shalt  }
0x73: {  	_ =	shalt  }
0x74: {  	_ =	shalt  }
0x75: {  	_ =	shalt  }
0x76: {  	_ =	shalt  }
0x77: {  	_ =	shalt  }
0x78: {  	_ =	shalt  }
0x79: {  	_ =	shalt  }
0x7a: {  	_ =	shalt  }
0x7b: {  	_ =	shalt  }
0x7c: {  	_ =	shalt  }
0x7d: {  	_ =	shalt  }
0x7e: {  	_ =	shalt  }
0x7f: {  	_ =	shalt  }
0x80: {  	_ =	shalt  }
0x81: {  	_ =	shalt  }
0x82: {  	_ =	shalt  }
0x83: {  	_ =	shalt  }
0x84: {  	_ =	shalt  }
0x85: {  	_ =	shalt  }
0x86: {  	_ =	shalt  }
0x87: {  	_ =	shalt  }
.Lfunc_end0:
.L_simem_size_0:
called_computation_lowered:
.L_overlay_start_0:
0x88: {  	s2 =	sld [smem:$0x3FD9]  }
0x89: {  	s3 =	sld [smem:$0x3FFE];
	_ =	sdelay $0x1  }
0x8a: {  	s1 =	srdreg.scid  }
0x8b: {  	s0 =	sand.u32 $0x1, s1  }
0x8c: {  	s18 =	sshll.u32 s0, $0xA;
	s2 =	sadd.s32 s3, s2  }
0x8d: {  	s2 =	sadd.s32 s2, s18  }
0x8e: {  	[smem:$0x3FC1] =	sst s2  }
0x8f: {  	_ = 	snop  }
0x90: {  	s2 =	sld [smem:$0x3FC9]  }
0x91: {  	s19 =	sld [smem:$0x3FC7]  }
0x92: {  	s4 =	sld [smem:$0x3FD0];
	(tm) =	ssettm $0x1  }
0x93: {  	s5 =	sld [smem:$0x3FFB];
	_ =	sdelay $0x3  }
0x94: {  	_ =	strace s5  }
0x95: {  	s5 =	sld [smem:$0x3FFC];
	_ =	sdelay $0x3  }
0x96: {  	_ =	strace s5  }
0x97: {  	s5 =	sld [smem:$0x3FFD];
	_ =	sdelay $0x3  }
0x98: {  	_ =	strace s5  }
0x99: {  	_ =	strace $0x8FFFFFFF  }
0x9a: {  	s20 =	sld [smem:$0x3FDB];
	_ =	sdelay $0x1  }
0x9b: {  	s6 =	simm.s32 $_scs_section_size  }
0x9c: {  	s7 =	simm.s32 $_size__tile_overlayer_lowered;
	s8 =	simm.s32 $_tile_overlayer_lowered  }
0x9d: {  	s23 =	simm.s32 $0x1BFF;
	s22 =	sshll.u32 s8, $0x1;
	s5 =	sadd.s32 s6, s20  }
0x9e: {  	s9 =	simm.s32 $0x0;
	s21 =	sshll.u32 s7, $0x1;
	s7 =	sadd.s32 s22, s5  }
0x9f: {  	[timem:s9], [sflag:s23] =	dma.local [hbm:s7], s21  }
0xa0: {  	_ =	swait.ge [sflag:s23], s21  }
0xa1: {  	s6 =	ssub.s32 $0x0, s21;
	[sflag:s23] =	ssyncset.done $0x0  }
0xa2: {  	[sflag:s23] =	ssyncadd.s32 s6;
	_ =	sdelay $0x1  }
0xa3: {  	s24 =	simm.s32 $0x1B8B  }
0xa4: {  	_ =	swait.ge [sflag:s24], $0x1  }
0xa5: {  	[sflag:s24] =	ssyncset.done $0x0  }
0xa6: {  	s25 =	simm.s32 $0x1B8E;
	[sflag:s24] =	ssyncadd.s32 $0xFFFFFFFF  }
0xa7: {  	s26 =	simm.s32 $execute0_lowered;
	[smem:$0x3FD2] =	sst s25  }
0xa8: {  	s6 =	sshll.u32 s26, $0x1;
	_ =	strace $0x80000046;
	[dreg:$0x1] =	wrdreg $0xFFFFFFFF  }
0xa9: {  	s28 =	simm.s32 $_size_execute0_lowered;
	s5 =	sadd.s32 s5, s6;
	[dreg:$0x0] =	wrdreg $0x0  }
0xaa: {  	s6 =	sshll.u32 s28, $0x1;
	[dreg:$0x2] =	wrdreg s5  }
0xab: {  	[dreg:$0x3] =	wrdreg s6  }
0xac: {  	[dreg:$0x4] =	wrdreg $0xC0  }
0xad: {  	_ =	task [dreg:s9], $0x5FFFF  }
0xae: {  	[dreg:$0x1] =	wrdreg $0xFFFFFFFF  }
0xaf: {  	[dreg:$0x0] =	wrdreg $0x60  }
0xb0: {  	[dreg:$0x2] =	wrdreg s19  }
0xb1: {  	[dreg:$0x3] =	wrdreg s2  }
0xb2: {  	[dreg:$0x4] =	wrdreg s4  }
0xb3: {  	[dreg:$0x5] =	wrdreg $0x9  }
0xb4: {  	_ =	task.clear_ibuf [dreg:s9], $0x6FFFF;
	_ =	strace $0x90000046  }
0xb5: {  	s29 =	simm.s32 $0x9;
	_ =	strace $0x80000048  }
0xb6: {  	_ =	swait.ge [sflag:s29], $0x1  }
0xb7: {  	[sflag:s29] =	ssyncadd.s32 $0xFFFFFFFF  }
0xb8: {  	_ =	strace $0x90000048  }
0xb9: {  	_ =	sfence  }
0xba: {  	s30 =	sld [smem:$0x0];
	_ =	sdelay $0x2  }
0xbb: {  	s31 =	sshll.u32 s1, $0xD;
	s1 =	sshrl.u32 s1, $0x2  }
0xbc: {  	s3 =	sand.u32 $0x4000, s31;
	s1 =	sadd.s32 s1, s30  }
0xbd: {  	s0 =	sor.u32 s3, s0;
	s1 =	sshll.u32 s1, $0x11  }
0xbe: {  	s0 =	sor.u32 s1, s0  }
0xbf: {  	s0 =	sadd.s32 $0x8F2B, s0  }
0xc0: {  	[sflag:s0] =	ssyncadd.remote.s32 $0x1  }
0xc1: {  	_ =	sfence.sel $0xFFFF  }
0xc2: {  	[dreg:$0x0] =	wrdreg $0xFFFFFFFF;
	(pc) =	sbr.abs _section_cstart, $3  }
0xc3: {  	[dreg:$0x1] =	wrdreg $0xFFFFFFFF  }
0xc4: {  	_ =	task.clear_ibuf [dreg:s9], $0x2FFFF;
	_ =	strace $0x9FFFFFFF  }
0xc5: {  	(tm) =	ssettm $0x7FFFFFFF  }
tec
execute0_lowered:
.L_overlay_start_1:
0x0: {  	(tag) =	ssettag $0x1  }
0x1: {  	s1 =	rddreg [dreg:$0x0]  }
0x2: {  	s0 =	rddreg [dreg:$0x1]  }
0x3: {  	s2 =	rddreg [dreg:$0x2];
	s4 =	srdreg.scid  }
0x4: {  	s6 =	stileid.u32;
	s3 =	simm.s32 $0x0;
	s25 =	simm.s32 $0x80  }
0x5: {  	s26 =	simm.s32 $0x200;
	s28 =	simm.s32 $0x2900;
	s29 =	simm.s32 $0x3100  }
0x6: {  	s30 =	simm.s32 $0x3900;
	s31 =	simm.s32 $0x4100;
	s12 =	simm.s32 $0x6100  }
0x7: {  	s4 =	sand.u32 $0x1, s4;
	s5 =	sshll.u32 s6, $0x1;
	s6 =	sshll.u32 s6, $0x2  }
0x8: {  	[smem:$0x7FF] =	sst s3;
	s5 =	sor.u32 s4, s5;
	s6 =	sand.u32 $0x30, s6  }
0x9: {  	_ =	strace $0x80000047;
	s4 =	ssub.s32 $0x2, s4;
	[dreg:$0xc] =	wrdreg s25  }
0xa: {  	[dreg:$0xd] =	wrdreg s26;
	s25 =	simm.s32 $0x1900;
	s26 =	simm.s32 $0x2100  }
0xb: {  	s7 =	sshll.u32 s5, $0x7;
	s8 =	smul.u32 $0x6000, s5;
	s0 =	sadd.s32 s0, s6  }
0xc: {  	s5 =	smul.u32 $0x30000, s5;
	s22 =	sshrl.u32 s4, $0x1;
	s7 =	sand.u32 $0x380, s7  }
0xd: {  	s6 =	sadd.s32 $0x200, s1;
	s24 =	ssub.s32 s4, s22;
	s0 =	sadd.s32 s7, s0  }
0xe: {  	s22 =	simm.s32 $0x8900;
	s15 =	sadd.s32 s2, s8;
	[dreg:$0x4] =	wrdreg s0  }
0xf: {  	s5 =	sshrl.u32 s5, $0x3;
	s16 =	sadd.s32 $0xC00, s15;
	[dreg:$0xe] =	wrdreg s15  }
0x10: {  	s17 =	sadd.s32 $0x1800, s15;
	s2 =	sadd.s32 s2, s5;
	[dreg:$0x5] =	wrdreg s16  }
0x11: {  	s4 =	simm.s32 $0x5;
	[dreg:$0x6] =	wrdreg s17;
	s18 =	sadd.s32 $0x2400, s2  }
0x12: {  	s7 =	smax.u32 s24, $0x1;
	s19 =	sadd.s32 $0x3000, s2;
	[dreg:$0x7] =	wrdreg s18  }
0x13: {  	s8 =	simm.s32 $0x12100;
	s20 =	sadd.s32 $0x3C00, s2;
	[dreg:$0x8] =	wrdreg s19  }
0x14: {  	s5 =	sadd.s32 $0x100, s1;
	s21 =	sadd.s32 $0x4800, s2;
	[dreg:$0x9] =	wrdreg s20  }
0x15: {  	v2 =	vlaneseq.u32;
	s15 =	simm.s32 $0xA900;
	s23 =	sadd.s32 $0x5400, s2;
	[dreg:$0xa] =	wrdreg s21  }
0x16: {  	vm0 =	vmmov $0xffff;
	v1 =	vshrl.u32 v2, $0x3;
	s16 =	simm.s32 $0xB100;
	s17 =	simm.s32 $0xB900;
	[dreg:$0xb] =	wrdreg s23  }
0x17: {  	v0 =	vand.u32 $0x7, v2;
	v2 =	vor.u32 $0x8, v2;
	v1 =	vmul.u32 $0x8, v1;
	s21 =	simm.s32 $0x100;
	s23 =	simm.s32 $0x8100;
	s18 =	simm.s32 $0xC100  }
.LBB2_1:
0x18: {  	s19 =	rddreg [dreg:$0x4]  }
0x19: {  	s20 =	rddreg [dreg:$0xc]  }
0x1a: {  	s24 =	rddreg [dreg:$0xd];
	s0 =	simm.s32 $0x9  }
0x1b: {  	[tilespmem:s3], [sflag:$0x9] =	stream.strided.gather [hbm4b:s19+s20], $0x100, s24, s20, $0x38;
	[tilespmem:$0x18100] =	vst v63  }
0x1c: {  	_ =	swait.ge [sflag:s0], $0x100  }
0x1d: {  	[sflag:s0] =	ssyncset.done $0x0  }
0x1e: {  	[sflag:s0] =	ssyncadd.s32 $0xFFFFFF00  }
0x1f: {  	v3 =	vld [tilespmem:$0x0];
	_ =	sdelay $0x4  }
0x20: {  	v4 =	vshrl.u32 v3, $0x3  }
0x21: {  	v4 =	vmul.u32 $0x30, v4  }
0x22: {  	v3 =	vand.u32 $0x7, v3  }
0x23: {  	v3 =	vor.u32 v3, v4  }
0x24: {  	v4 =	vperm.xlane v3, v0;
	_ =	sdelay $0x1  }
0x25: {  	v4 =	vadd.s32 v1, v4;
	_ =	sdelay $0x3  }
0x26: {  	v3 =	vperm.xlane v3, v2  }
0x27: {  	[tilespmem:s21], [sflag:$0x1] =	stream.indirect_vreg.gather [hbm4b:s1+s3], $0x80, v4, vm0, $0xb8;
	[tilespmem:$0x18100] =	vst v63  }
0x28: {  	s20 =	simm.s32 $0x900;
	v3 =	vadd.s32 v1, v3  }
0x29: {  	[tilespmem:s20], [sflag:$0x1] =	stream.indirect_vreg.gather [hbm4b:s5+s3], $0x80, v4, vm0, $0xb8;
	[tilespmem:$0x18100] =	vst v63  }
0x2a: {  	s24 =	simm.s32 $0x1100  }
0x2b: {  	[tilespmem:s24], [sflag:$0x1] =	stream.indirect_vreg.gather [hbm4b:s6+s3], $0x80, v4, vm0, $0xb8;
	[tilespmem:$0x18100] =	vst v63  }
0x2c: {  	_ = 	snop  }
0x2d: {  	[tilespmem:s25], [sflag:$0x1] =	stream.indirect_vreg.gather [hbm4b:s1+s3], $0x80, v3, vm0, $0xb8;
	[tilespmem:$0x18100] =	vst v63  }
0x2e: {  	_ = 	snop  }
0x2f: {  	[tilespmem:s26], [sflag:$0x1] =	stream.indirect_vreg.gather [hbm4b:s5+s3], $0x80, v3, vm0, $0xb8;
	[tilespmem:$0x18100] =	vst v63  }
0x30: {  	_ = 	snop  }
0x31: {  	[tilespmem:s28], [sflag:$0x1] =	stream.indirect_vreg.gather [hbm4b:s6+s3], $0x80, v3, vm0, $0xb8;
	[tilespmem:$0x18100] =	vst v63  }
0x32: {  	v3 =	vld [tilespmem:$0x10];
	_ =	sdelay $0x4  }
0x33: {  	v49 =	vshrl.u32 v3, $0x3  }
0x34: {  	v4 =	vmul.u32 $0x30, v49  }
0x35: {  	v3 =	vand.u32 $0x7, v3  }
0x36: {  	v3 =	vor.u32 v3, v4  }
0x37: {  	v4 =	vperm.xlane v3, v0;
	_ =	sdelay $0x1  }
0x38: {  	v4 =	vadd.s32 v1, v4;
	_ =	sdelay $0x3  }
0x39: {  	v3 =	vperm.xlane v3, v2  }
0x3a: {  	[tilespmem:s29], [sflag:$0x1] =	stream.indirect_vreg.gather [hbm4b:s1+s3], $0x80, v4, vm0, $0xb8;
	[tilespmem:$0x18100] =	vst v63  }
0x3b: {  	v3 =	vadd.s32 v1, v3  }
0x3c: {  	[tilespmem:s30], [sflag:$0x1] =	stream.indirect_vreg.gather [hbm4b:s5+s3], $0x80, v4, vm0, $0xb8;
	[tilespmem:$0x18100] =	vst v63  }
0x3d: {  	_ = 	snop  }
0x3e: {  	[tilespmem:s31], [sflag:$0x1] =	stream.indirect_vreg.gather [hbm4b:s6+s3], $0x80, v4, vm0, $0xb8;
	[tilespmem:$0x18100] =	vst v63  }
0x3f: {  	s11 =	simm.s32 $0x4900  }
0x40: {  	[tilespmem:s11], [sflag:$0x1] =	stream.indirect_vreg.gather [hbm4b:s1+s3], $0x80, v3, vm0, $0xb8;
	[tilespmem:$0x18100] =	vst v63  }
0x41: {  	s9 =	simm.s32 $0x5100  }
0x42: {  	[tilespmem:s9], [sflag:$0x1] =	stream.indirect_vreg.gather [hbm4b:s5+s3], $0x80, v3, vm0, $0xb8;
	[tilespmem:$0x18100] =	vst v63  }
0x43: {  	s10 =	simm.s32 $0x5900  }
0x44: {  	[tilespmem:s10], [sflag:$0x1] =	stream.indirect_vreg.gather [hbm4b:s6+s3], $0x80, v3, vm0, $0xb8;
	[tilespmem:$0x18100] =	vst v63  }
0x45: {  	v3 =	vld [tilespmem:$0x20];
	_ =	sdelay $0x4  }
0x46: {  	v50 =	vshrl.u32 v3, $0x3  }
0x47: {  	v4 =	vmul.u32 $0x30, v50  }
0x48: {  	v3 =	vand.u32 $0x7, v3  }
0x49: {  	v3 =	vor.u32 v3, v4  }
0x4a: {  	v4 =	vperm.xlane v3, v0;
	_ =	sdelay $0x1  }
0x4b: {  	v4 =	vadd.s32 v1, v4;
	_ =	sdelay $0x3  }
0x4c: {  	v3 =	vperm.xlane v3, v2  }
0x4d: {  	[tilespmem:s12], [sflag:$0x2] =	stream.indirect_vreg.gather [hbm4b:s1+s3], $0x80, v4, vm0, $0xb8;
	[tilespmem:$0x18100] =	vst v63  }
0x4e: {  	s19 =	simm.s32 $0x6900;
	v3 =	vadd.s32 v1, v3  }
0x4f: {  	[tilespmem:s19], [sflag:$0x2] =	stream.indirect_vreg.gather [hbm4b:s5+s3], $0x80, v4, vm0, $0xb8;
	[tilespmem:$0x18100] =	vst v63  }
0x50: {  	s2 =	simm.s32 $0x7100  }
0x51: {  	[tilespmem:s2], [sflag:$0x2] =	stream.indirect_vreg.gather [hbm4b:s6+s3], $0x80, v4, vm0, $0xb8;
	[tilespmem:$0x18100] =	vst v63  }
0x52: {  	s13 =	simm.s32 $0x7900  }
0x53: {  	[tilespmem:s13], [sflag:$0x2] =	stream.indirect_vreg.gather [hbm4b:s1+s3], $0x80, v3, vm0, $0xb8;
	[tilespmem:$0x18100] =	vst v63  }
0x54: {  	_ = 	snop  }
0x55: {  	[tilespmem:s23], [sflag:$0x2] =	stream.indirect_vreg.gather [hbm4b:s5+s3], $0x80, v3, vm0, $0xb8;
	[tilespmem:$0x18100] =	vst v63  }
0x56: {  	_ = 	snop  }
0x57: {  	[tilespmem:s22], [sflag:$0x2] =	stream.indirect_vreg.gather [hbm4b:s6+s3], $0x80, v3, vm0, $0xb8;
	[tilespmem:$0x18100] =	vst v63  }
0x58: {  	v3 =	vld [tilespmem:$0x30];
	_ =	sdelay $0x4  }
0x59: {  	v51 =	vshrl.u32 v3, $0x3  }
0x5a: {  	v4 =	vmul.u32 $0x30, v51  }
0x5b: {  	v3 =	vand.u32 $0x7, v3  }
0x5c: {  	v3 =	vor.u32 v3, v4  }
0x5d: {  	v4 =	vperm.xlane v3, v0;
	_ =	sdelay $0x1  }
0x5e: {  	v4 =	vadd.s32 v1, v4;
	_ =	sdelay $0x3  }
0x5f: {  	s14 =	simm.s32 $0x9100;
	v3 =	vperm.xlane v3, v2  }
0x60: {  	[tilespmem:s14], [sflag:$0x2] =	stream.indirect_vreg.gather [hbm4b:s1+s3], $0x80, v4, vm0, $0xb8;
	[tilespmem:$0x18100] =	vst v63  }
0x61: {  	s13 =	simm.s32 $0x9900;
	v3 =	vadd.s32 v1, v3  }
0x62: {  	[tilespmem:s13], [sflag:$0x2] =	stream.indirect_vreg.gather [hbm4b:s5+s3], $0x80, v4, vm0, $0xb8;
	[tilespmem:$0x18100] =	vst v63  }
0x63: {  	s14 =	simm.s32 $0xA100  }
0x64: {  	[tilespmem:s14], [sflag:$0x2] =	stream.indirect_vreg.gather [hbm4b:s6+s3], $0x80, v4, vm0, $0xb8;
	[tilespmem:$0x18100] =	vst v63  }
0x65: {  	_ = 	snop  }
0x66: {  	[tilespmem:s15], [sflag:$0x2] =	stream.indirect_vreg.gather [hbm4b:s1+s3], $0x80, v3, vm0, $0xb8;
	[tilespmem:$0x18100] =	vst v63  }
0x67: {  	_ = 	snop  }
0x68: {  	[tilespmem:s16], [sflag:$0x2] =	stream.indirect_vreg.gather [hbm4b:s5+s3], $0x80, v3, vm0, $0xb8;
	[tilespmem:$0x18100] =	vst v63  }
0x69: {  	_ = 	snop  }
0x6a: {  	[tilespmem:s17], [sflag:$0x2] =	stream.indirect_vreg.gather [hbm4b:s6+s3], $0x80, v3, vm0, $0xb8;
	[tilespmem:$0x18100] =	vst v63  }
0x6b: {  	v3 =	vld [tilespmem:$0x40];
	_ =	sdelay $0x4  }
0x6c: {  	v52 =	vshrl.u32 v3, $0x3  }
0x6d: {  	v4 =	vmul.u32 $0x30, v52  }
0x6e: {  	v3 =	vand.u32 $0x7, v3  }
0x6f: {  	v3 =	vor.u32 v3, v4  }
0x70: {  	v4 =	vperm.xlane v3, v0;
	_ =	sdelay $0x1  }
0x71: {  	v4 =	vadd.s32 v1, v4;
	_ =	sdelay $0x3  }
0x72: {  	v3 =	vperm.xlane v3, v2  }
0x73: {  	[tilespmem:s18], [sflag:$0x3] =	stream.indirect_vreg.gather [hbm4b:s1+s3], $0x80, v4, vm0, $0xb8;
	[tilespmem:$0x18100] =	vst v63  }
0x74: {  	s19 =	simm.s32 $0xC900;
	v3 =	vadd.s32 v1, v3  }
0x75: {  	[tilespmem:s19], [sflag:$0x3] =	stream.indirect_vreg.gather [hbm4b:s5+s3], $0x80, v4, vm0, $0xb8;
	[tilespmem:$0x18100] =	vst v63  }
0x76: {  	s2 =	simm.s32 $0xD100  }
0x77: {  	[tilespmem:s2], [sflag:$0x3] =	stream.indirect_vreg.gather [hbm4b:s6+s3], $0x80, v4, vm0, $0xb8;
	[tilespmem:$0x18100] =	vst v63  }
0x78: {  	s19 =	simm.s32 $0xD900  }
0x79: {  	[tilespmem:s19], [sflag:$0x3] =	stream.indirect_vreg.gather [hbm4b:s1+s3], $0x80, v3, vm0, $0xb8;
	[tilespmem:$0x18100] =	vst v63  }
0x7a: {  	s2 =	simm.s32 $0xE100  }
0x7b: {  	[tilespmem:s2], [sflag:$0x3] =	stream.indirect_vreg.gather [hbm4b:s5+s3], $0x80, v3, vm0, $0xb8;
	[tilespmem:$0x18100] =	vst v63  }
0x7c: {  	s19 =	simm.s32 $0xE900  }
0x7d: {  	[tilespmem:s19], [sflag:$0x3] =	stream.indirect_vreg.gather [hbm4b:s6+s3], $0x80, v3, vm0, $0xb8;
	[tilespmem:$0x18100] =	vst v63  }
0x7e: {  	v3 =	vld [tilespmem:$0x50];
	_ =	sdelay $0x4  }
0x7f: {  	v53 =	vshrl.u32 v3, $0x3  }
0x80: {  	v4 =	vmul.u32 $0x30, v53  }
0x81: {  	v3 =	vand.u32 $0x7, v3  }
0x82: {  	v3 =	vor.u32 v3, v4  }
0x83: {  	v4 =	vperm.xlane v3, v0;
	_ =	sdelay $0x1  }
0x84: {  	v4 =	vadd.s32 v1, v4;
	_ =	sdelay $0x3  }
0x85: {  	s2 =	simm.s32 $0xF100;
	v3 =	vperm.xlane v3, v2  }
0x86: {  	[tilespmem:s2], [sflag:$0x3] =	stream.indirect_vreg.gather [hbm4b:s1+s3], $0x80, v4, vm0, $0xb8;
	[tilespmem:$0x18100] =	vst v63  }
0x87: {  	s19 =	simm.s32 $0xF900;
	v3 =	vadd.s32 v1, v3  }
0x88: {  	[tilespmem:s19], [sflag:$0x3] =	stream.indirect_vreg.gather [hbm4b:s5+s3], $0x80, v4, vm0, $0xb8;
	[tilespmem:$0x18100] =	vst v63  }
0x89: {  	s2 =	simm.s32 $0x10100  }
0x8a: {  	[tilespmem:s2], [sflag:$0x3] =	stream.indirect_vreg.gather [hbm4b:s6+s3], $0x80, v4, vm0, $0xb8;
	[tilespmem:$0x18100] =	vst v63  }
0x8b: {  	s19 =	simm.s32 $0x10900  }
0x8c: {  	[tilespmem:s19], [sflag:$0x3] =	stream.indirect_vreg.gather [hbm4b:s1+s3], $0x80, v3, vm0, $0xb8;
	[tilespmem:$0x18100] =	vst v63  }
0x8d: {  	s2 =	simm.s32 $0x11100  }
0x8e: {  	[tilespmem:s2], [sflag:$0x3] =	stream.indirect_vreg.gather [hbm4b:s5+s3], $0x80, v3, vm0, $0xb8;
	[tilespmem:$0x18100] =	vst v63  }
0x8f: {  	s0 =	simm.s32 $0x1;
	s19 =	simm.s32 $0x11900  }
0x90: {  	[tilespmem:s19], [sflag:$0x3] =	stream.indirect_vreg.gather [hbm4b:s6+s3], $0x80, v3, vm0, $0xb8;
	[tilespmem:$0x18100] =	vst v63  }
0x91: {  	_ =	swait.ge [sflag:s0], $0x6000  }
0x92: {  	[sflag:s0] =	ssyncset.done $0x0  }
0x93: {  	s2 =	rddreg [dreg:$0xe];
	[sflag:s0] =	ssyncadd.s32 $0xFFFFA000  }
0x94: {  	[hbm4b:s2+s3] =	stream.linear.scatter [tilespmem:s21], [sflag:$0x5], $0x6000, $0x38;
	[tilespmem:$0x18100] =	vst v63  }
0x95: {  	v3 =	vld [tilespmem:$0x60];
	_ =	sdelay $0x4  }
0x96: {  	v54 =	vshrl.u32 v3, $0x3  }
0x97: {  	v4 =	vmul.u32 $0x30, v54  }
0x98: {  	v3 =	vand.u32 $0x7, v3  }
0x99: {  	v3 =	vor.u32 v3, v4  }
0x9a: {  	v4 =	vperm.xlane v3, v0;
	_ =	sdelay $0x1  }
0x9b: {  	v4 =	vadd.s32 v1, v4;
	_ =	sdelay $0x3  }
0x9c: {  	v3 =	vperm.xlane v3, v2  }
0x9d: {  	[tilespmem:s8], [sflag:$0x4] =	stream.indirect_vreg.gather [hbm4b:s1+s3], $0x80, v4, vm0, $0xb8;
	[tilespmem:$0x18100] =	vst v63  }
0x9e: {  	s2 =	simm.s32 $0x12900;
	v3 =	vadd.s32 v1, v3  }
0x9f: {  	[tilespmem:s2], [sflag:$0x4] =	stream.indirect_vreg.gather [hbm4b:s5+s3], $0x80, v4, vm0, $0xb8;
	[tilespmem:$0x18100] =	vst v63  }
0xa0: {  	s19 =	simm.s32 $0x13100  }
0xa1: {  	[tilespmem:s19], [sflag:$0x4] =	stream.indirect_vreg.gather [hbm4b:s6+s3], $0x80, v4, vm0, $0xb8;
	[tilespmem:$0x18100] =	vst v63  }
0xa2: {  	s19 =	simm.s32 $0x13900  }
0xa3: {  	[tilespmem:s19], [sflag:$0x4] =	stream.indirect_vreg.gather [hbm4b:s1+s3], $0x80, v3, vm0, $0xb8;
	[tilespmem:$0x18100] =	vst v63  }
0xa4: {  	s19 =	simm.s32 $0x14100  }
0xa5: {  	[tilespmem:s19], [sflag:$0x4] =	stream.indirect_vreg.gather [hbm4b:s5+s3], $0x80, v3, vm0, $0xb8;
	[tilespmem:$0x18100] =	vst v63  }
0xa6: {  	s19 =	simm.s32 $0x14900  }
0xa7: {  	[tilespmem:s19], [sflag:$0x4] =	stream.indirect_vreg.gather [hbm4b:s6+s3], $0x80, v3, vm0, $0xb8;
	[tilespmem:$0x18100] =	vst v63  }
0xa8: {  	v3 =	vld [tilespmem:$0x70];
	_ =	sdelay $0x4  }
0xa9: {  	v55 =	vshrl.u32 v3, $0x3  }
0xaa: {  	v4 =	vmul.u32 $0x30, v55  }
0xab: {  	v3 =	vand.u32 $0x7, v3  }
0xac: {  	v3 =	vor.u32 v3, v4  }
0xad: {  	v4 =	vperm.xlane v3, v0;
	_ =	sdelay $0x1  }
0xae: {  	v4 =	vadd.s32 v1, v4;
	_ =	sdelay $0x3  }
0xaf: {  	s19 =	simm.s32 $0x15100;
	v3 =	vperm.xlane v3, v2  }
0xb0: {  	[tilespmem:s19], [sflag:$0x4] =	stream.indirect_vreg.gather [hbm4b:s1+s3], $0x80, v4, vm0, $0xb8;
	[tilespmem:$0x18100] =	vst v63  }
0xb1: {  	v3 =	vadd.s32 v1, v3;
	s19 =	simm.s32 $0x15900  }
0xb2: {  	[tilespmem:s19], [sflag:$0x4] =	stream.indirect_vreg.gather [hbm4b:s5+s3], $0x80, v4, vm0, $0xb8;
	[tilespmem:$0x18100] =	vst v63  }
0xb3: {  	s19 =	simm.s32 $0x16100  }
0xb4: {  	[tilespmem:s19], [sflag:$0x4] =	stream.indirect_vreg.gather [hbm4b:s6+s3], $0x80, v4, vm0, $0xb8;
	[tilespmem:$0x18100] =	vst v63  }
0xb5: {  	s19 =	simm.s32 $0x16900  }
0xb6: {  	[tilespmem:s19], [sflag:$0x4] =	stream.indirect_vreg.gather [hbm4b:s1+s3], $0x80, v3, vm0, $0xb8;
	[tilespmem:$0x18100] =	vst v63  }
0xb7: {  	s19 =	simm.s32 $0x17100  }
0xb8: {  	[tilespmem:s19], [sflag:$0x4] =	stream.indirect_vreg.gather [hbm4b:s5+s3], $0x80, v3, vm0, $0xb8;
	[tilespmem:$0x18100] =	vst v63  }
0xb9: {  	s2 =	simm.s32 $0x2;
	s19 =	simm.s32 $0x17900  }
0xba: {  	[tilespmem:s19], [sflag:$0x4] =	stream.indirect_vreg.gather [hbm4b:s6+s3], $0x80, v3, vm0, $0xb8;
	[tilespmem:$0x18100] =	vst v63  }
0xbb: {  	_ =	swait.ge [sflag:s2], $0x6000  }
0xbc: {  	[sflag:s2] =	ssyncset.done $0x0  }
0xbd: {  	s19 =	rddreg [dreg:$0x5];
	[sflag:s2] =	ssyncadd.s32 $0xFFFFA000  }
0xbe: {  	[hbm4b:s19+s3] =	stream.linear.scatter [tilespmem:s12], [sflag:$0x6], $0x6000, $0x38;
	[tilespmem:$0x18100] =	vst v63  }
0xbf: {  	_ =	swait.ge [sflag:s4], $0x6000  }
0xc0: {  	[sflag:s4] =	ssyncset.done $0x0  }
0xc1: {  	[sflag:s4] =	ssyncadd.s32 $0xFFFFA000  }
0xc2: {  	v3 =	vld [tilespmem:$0x80];
	_ =	sdelay $0x4  }
0xc3: {  	v56 =	vshrl.u32 v3, $0x3  }
0xc4: {  	v4 =	vmul.u32 $0x30, v56  }
0xc5: {  	v3 =	vand.u32 $0x7, v3  }
0xc6: {  	v3 =	vor.u32 v3, v4  }
0xc7: {  	v4 =	vperm.xlane v3, v0;
	_ =	sdelay $0x1  }
0xc8: {  	v4 =	vadd.s32 v1, v4;
	_ =	sdelay $0x3  }
0xc9: {  	v3 =	vperm.xlane v3, v2  }
0xca: {  	[tilespmem:s21], [sflag:$0x1] =	stream.indirect_vreg.gather [hbm4b:s1+s3], $0x80, v4, vm0, $0xb8;
	[tilespmem:$0x18100] =	vst v63  }
0xcb: {  	v3 =	vadd.s32 v1, v3  }
0xcc: {  	[tilespmem:s20], [sflag:$0x1] =	stream.indirect_vreg.gather [hbm4b:s5+s3], $0x80, v4, vm0, $0xb8;
	[tilespmem:$0x18100] =	vst v63  }
0xcd: {  	_ = 	snop  }
0xce: {  	[tilespmem:s24], [sflag:$0x1] =	stream.indirect_vreg.gather [hbm4b:s6+s3], $0x80, v4, vm0, $0xb8;
	[tilespmem:$0x18100] =	vst v63  }
0xcf: {  	_ = 	snop  }
0xd0: {  	[tilespmem:s25], [sflag:$0x1] =	stream.indirect_vreg.gather [hbm4b:s1+s3], $0x80, v3, vm0, $0xb8;
	[tilespmem:$0x18100] =	vst v63  }
0xd1: {  	_ = 	snop  }
0xd2: {  	[tilespmem:s26], [sflag:$0x1] =	stream.indirect_vreg.gather [hbm4b:s5+s3], $0x80, v3, vm0, $0xb8;
	[tilespmem:$0x18100] =	vst v63  }
0xd3: {  	_ = 	snop  }
0xd4: {  	[tilespmem:s28], [sflag:$0x1] =	stream.indirect_vreg.gather [hbm4b:s6+s3], $0x80, v3, vm0, $0xb8;
	[tilespmem:$0x18100] =	vst v63  }
0xd5: {  	v3 =	vld [tilespmem:$0x90];
	_ =	sdelay $0x4  }
0xd6: {  	v57 =	vshrl.u32 v3, $0x3  }
0xd7: {  	v4 =	vmul.u32 $0x30, v57  }
0xd8: {  	v3 =	vand.u32 $0x7, v3  }
0xd9: {  	v3 =	vor.u32 v3, v4  }
0xda: {  	v4 =	vperm.xlane v3, v0;
	_ =	sdelay $0x1  }
0xdb: {  	v4 =	vadd.s32 v1, v4;
	_ =	sdelay $0x3  }
0xdc: {  	v3 =	vperm.xlane v3, v2  }
0xdd: {  	[tilespmem:s29], [sflag:$0x1] =	stream.indirect_vreg.gather [hbm4b:s1+s3], $0x80, v4, vm0, $0xb8;
	[tilespmem:$0x18100] =	vst v63  }
0xde: {  	v3 =	vadd.s32 v1, v3  }
0xdf: {  	[tilespmem:s30], [sflag:$0x1] =	stream.indirect_vreg.gather [hbm4b:s5+s3], $0x80, v4, vm0, $0xb8;
	[tilespmem:$0x18100] =	vst v63  }
0xe0: {  	_ = 	snop  }
0xe1: {  	[tilespmem:s31], [sflag:$0x1] =	stream.indirect_vreg.gather [hbm4b:s6+s3], $0x80, v4, vm0, $0xb8;
	[tilespmem:$0x18100] =	vst v63  }
0xe2: {  	_ = 	snop  }
0xe3: {  	[tilespmem:s11], [sflag:$0x1] =	stream.indirect_vreg.gather [hbm4b:s1+s3], $0x80, v3, vm0, $0xb8;
	[tilespmem:$0x18100] =	vst v63  }
0xe4: {  	_ = 	snop  }
0xe5: {  	[tilespmem:s9], [sflag:$0x1] =	stream.indirect_vreg.gather [hbm4b:s5+s3], $0x80, v3, vm0, $0xb8;
	[tilespmem:$0x18100] =	vst v63  }
0xe6: {  	s9 =	simm.s32 $0x3  }
0xe7: {  	[tilespmem:s10], [sflag:$0x1] =	stream.indirect_vreg.gather [hbm4b:s6+s3], $0x80, v3, vm0, $0xb8;
	[tilespmem:$0x18100] =	vst v63  }
0xe8: {  	_ =	swait.ge [sflag:s9], $0x6000  }
0xe9: {  	[sflag:s9] =	ssyncset.done $0x0  }
0xea: {  	s10 =	simm.s32 $0x6;
	s20 =	rddreg [dreg:$0x6];
	[sflag:s9] =	ssyncadd.s32 $0xFFFFA000  }
0xeb: {  	[hbm4b:s20+s3] =	stream.linear.scatter [tilespmem:s18], [sflag:$0x7], $0x6000, $0x38;
	[tilespmem:$0x18100] =	vst v63  }
0xec: {  	_ =	swait.ge [sflag:s10], $0x6000  }
0xed: {  	[sflag:s10] =	ssyncset.done $0x0  }
0xee: {  	[sflag:s10] =	ssyncadd.s32 $0xFFFFA000  }
0xef: {  	v3 =	vld [tilespmem:$0xA0];
	_ =	sdelay $0x4  }
0xf0: {  	v58 =	vshrl.u32 v3, $0x3  }
0xf1: {  	v4 =	vmul.u32 $0x30, v58  }
0xf2: {  	v3 =	vand.u32 $0x7, v3  }
0xf3: {  	v3 =	vor.u32 v3, v4  }
0xf4: {  	v4 =	vperm.xlane v3, v0;
	_ =	sdelay $0x1  }
0xf5: {  	v4 =	vadd.s32 v1, v4;
	_ =	sdelay $0x3  }
0xf6: {  	v3 =	vperm.xlane v3, v2  }
0xf7: {  	[tilespmem:s12], [sflag:$0x2] =	stream.indirect_vreg.gather [hbm4b:s1+s3], $0x80, v4, vm0, $0xb8;
	[tilespmem:$0x18100] =	vst v63  }
0xf8: {  	s24 =	simm.s32 $0x6900;
	v3 =	vadd.s32 v1, v3  }
0xf9: {  	[tilespmem:s24], [sflag:$0x2] =	stream.indirect_vreg.gather [hbm4b:s5+s3], $0x80, v4, vm0, $0xb8;
	[tilespmem:$0x18100] =	vst v63  }
0xfa: {  	s19 =	simm.s32 $0x7100  }
0xfb: {  	[tilespmem:s19], [sflag:$0x2] =	stream.indirect_vreg.gather [hbm4b:s6+s3], $0x80, v4, vm0, $0xb8;
	[tilespmem:$0x18100] =	vst v63  }
0xfc: {  	s20 =	simm.s32 $0x7900  }
0xfd: {  	[tilespmem:s20], [sflag:$0x2] =	stream.indirect_vreg.gather [hbm4b:s1+s3], $0x80, v3, vm0, $0xb8;
	[tilespmem:$0x18100] =	vst v63  }
0xfe: {  	_ = 	snop  }
0xff: {  	[tilespmem:s23], [sflag:$0x2] =	stream.indirect_vreg.gather [hbm4b:s5+s3], $0x80, v3, vm0, $0xb8;
	[tilespmem:$0x18100] =	vst v63  }
0x100: {  	_ = 	snop  }
0x101: {  	[tilespmem:s22], [sflag:$0x2] =	stream.indirect_vreg.gather [hbm4b:s6+s3], $0x80, v3, vm0, $0xb8;
	[tilespmem:$0x18100] =	vst v63  }
0x102: {  	v3 =	vld [tilespmem:$0xB0];
	_ =	sdelay $0x4  }
0x103: {  	v59 =	vshrl.u32 v3, $0x3  }
0x104: {  	v4 =	vmul.u32 $0x30, v59  }
0x105: {  	v3 =	vand.u32 $0x7, v3  }
0x106: {  	v3 =	vor.u32 v3, v4  }
0x107: {  	v4 =	vperm.xlane v3, v0;
	_ =	sdelay $0x1  }
0x108: {  	v4 =	vadd.s32 v1, v4;
	_ =	sdelay $0x3  }
0x109: {  	s24 =	simm.s32 $0x9100;
	v3 =	vperm.xlane v3, v2  }
0x10a: {  	[tilespmem:s24], [sflag:$0x2] =	stream.indirect_vreg.gather [hbm4b:s1+s3], $0x80, v4, vm0, $0xb8;
	[tilespmem:$0x18100] =	vst v63  }
0x10b: {  	v3 =	vadd.s32 v1, v3  }
0x10c: {  	[tilespmem:s13], [sflag:$0x2] =	stream.indirect_vreg.gather [hbm4b:s5+s3], $0x80, v4, vm0, $0xb8;
	[tilespmem:$0x18100] =	vst v63  }
0x10d: {  	_ = 	snop  }
0x10e: {  	[tilespmem:s14], [sflag:$0x2] =	stream.indirect_vreg.gather [hbm4b:s6+s3], $0x80, v4, vm0, $0xb8;
	[tilespmem:$0x18100] =	vst v63  }
0x10f: {  	_ = 	snop  }
0x110: {  	[tilespmem:s15], [sflag:$0x2] =	stream.indirect_vreg.gather [hbm4b:s1+s3], $0x80, v3, vm0, $0xb8;
	[tilespmem:$0x18100] =	vst v63  }
0x111: {  	_ = 	snop  }
0x112: {  	[tilespmem:s16], [sflag:$0x2] =	stream.indirect_vreg.gather [hbm4b:s5+s3], $0x80, v3, vm0, $0xb8;
	[tilespmem:$0x18100] =	vst v63  }
0x113: {  	s11 =	simm.s32 $0x4  }
0x114: {  	[tilespmem:s17], [sflag:$0x2] =	stream.indirect_vreg.gather [hbm4b:s6+s3], $0x80, v3, vm0, $0xb8;
	[tilespmem:$0x18100] =	vst v63  }
0x115: {  	_ =	swait.ge [sflag:s11], $0x6000  }
0x116: {  	[sflag:s11] =	ssyncset.done $0x0  }
0x117: {  	s13 =	simm.s32 $0x7;
	s14 =	rddreg [dreg:$0x7];
	[sflag:s11] =	ssyncadd.s32 $0xFFFFA000  }
0x118: {  	[hbm4b:s14+s3] =	stream.linear.scatter [tilespmem:s8], [sflag:$0x8], $0x6000, $0x38;
	[tilespmem:$0x18100] =	vst v63  }
0x119: {  	_ =	swait.ge [sflag:s13], $0x6000  }
0x11a: {  	[sflag:s13] =	ssyncset.done $0x0  }
0x11b: {  	[sflag:s13] =	ssyncadd.s32 $0xFFFFA000  }
0x11c: {  	v3 =	vld [tilespmem:$0xC0];
	_ =	sdelay $0x4  }
0x11d: {  	v60 =	vshrl.u32 v3, $0x3  }
0x11e: {  	v4 =	vmul.u32 $0x30, v60  }
0x11f: {  	v3 =	vand.u32 $0x7, v3  }
0x120: {  	v3 =	vor.u32 v3, v4  }
0x121: {  	v4 =	vperm.xlane v3, v0;
	_ =	sdelay $0x1  }
0x122: {  	v4 =	vadd.s32 v1, v4;
	_ =	sdelay $0x3  }
0x123: {  	v3 =	vperm.xlane v3, v2  }
0x124: {  	[tilespmem:s18], [sflag:$0x3] =	stream.indirect_vreg.gather [hbm4b:s1+s3], $0x80, v4, vm0, $0xb8;
	[tilespmem:$0x18100] =	vst v63  }
0x125: {  	s20 =	simm.s32 $0xC900;
	v3 =	vadd.s32 v1, v3  }
0x126: {  	[tilespmem:s20], [sflag:$0x3] =	stream.indirect_vreg.gather [hbm4b:s5+s3], $0x80, v4, vm0, $0xb8;
	[tilespmem:$0x18100] =	vst v63  }
0x127: {  	s24 =	simm.s32 $0xD100  }
0x128: {  	[tilespmem:s24], [sflag:$0x3] =	stream.indirect_vreg.gather [hbm4b:s6+s3], $0x80, v4, vm0, $0xb8;
	[tilespmem:$0x18100] =	vst v63  }
0x129: {  	s19 =	simm.s32 $0xD900  }
0x12a: {  	[tilespmem:s19], [sflag:$0x3] =	stream.indirect_vreg.gather [hbm4b:s1+s3], $0x80, v3, vm0, $0xb8;
	[tilespmem:$0x18100] =	vst v63  }
0x12b: {  	s20 =	simm.s32 $0xE100  }
0x12c: {  	[tilespmem:s20], [sflag:$0x3] =	stream.indirect_vreg.gather [hbm4b:s5+s3], $0x80, v3, vm0, $0xb8;
	[tilespmem:$0x18100] =	vst v63  }
0x12d: {  	s24 =	simm.s32 $0xE900  }
0x12e: {  	[tilespmem:s24], [sflag:$0x3] =	stream.indirect_vreg.gather [hbm4b:s6+s3], $0x80, v3, vm0, $0xb8;
	[tilespmem:$0x18100] =	vst v63  }
0x12f: {  	v3 =	vld [tilespmem:$0xD0];
	_ =	sdelay $0x4  }
0x130: {  	v61 =	vshrl.u32 v3, $0x3  }
0x131: {  	v4 =	vmul.u32 $0x30, v61  }
0x132: {  	v3 =	vand.u32 $0x7, v3  }
0x133: {  	v3 =	vor.u32 v3, v4  }
0x134: {  	v4 =	vperm.xlane v3, v0;
	_ =	sdelay $0x1  }
0x135: {  	v4 =	vadd.s32 v1, v4;
	_ =	sdelay $0x3  }
0x136: {  	s19 =	simm.s32 $0xF100;
	v3 =	vperm.xlane v3, v2  }
0x137: {  	[tilespmem:s19], [sflag:$0x3] =	stream.indirect_vreg.gather [hbm4b:s1+s3], $0x80, v4, vm0, $0xb8;
	[tilespmem:$0x18100] =	vst v63  }
0x138: {  	s20 =	simm.s32 $0xF900;
	v3 =	vadd.s32 v1, v3  }
0x139: {  	[tilespmem:s20], [sflag:$0x3] =	stream.indirect_vreg.gather [hbm4b:s5+s3], $0x80, v4, vm0, $0xb8;
	[tilespmem:$0x18100] =	vst v63  }
0x13a: {  	s24 =	simm.s32 $0x10100  }
0x13b: {  	[tilespmem:s24], [sflag:$0x3] =	stream.indirect_vreg.gather [hbm4b:s6+s3], $0x80, v4, vm0, $0xb8;
	[tilespmem:$0x18100] =	vst v63  }
0x13c: {  	s19 =	simm.s32 $0x10900  }
0x13d: {  	[tilespmem:s19], [sflag:$0x3] =	stream.indirect_vreg.gather [hbm4b:s1+s3], $0x80, v3, vm0, $0xb8;
	[tilespmem:$0x18100] =	vst v63  }
0x13e: {  	s20 =	simm.s32 $0x11100  }
0x13f: {  	[tilespmem:s20], [sflag:$0x3] =	stream.indirect_vreg.gather [hbm4b:s5+s3], $0x80, v3, vm0, $0xb8;
	[tilespmem:$0x18100] =	vst v63  }
0x140: {  	s24 =	simm.s32 $0x11900  }
0x141: {  	[tilespmem:s24], [sflag:$0x3] =	stream.indirect_vreg.gather [hbm4b:s6+s3], $0x80, v3, vm0, $0xb8;
	[tilespmem:$0x18100] =	vst v63  }
0x142: {  	_ =	swait.ge [sflag:s0], $0x6000  }
0x143: {  	[sflag:s0] =	ssyncset.done $0x0  }
0x144: {  	s14 =	rddreg [dreg:$0x8];
	[sflag:s0] =	ssyncadd.s32 $0xFFFFA000;
	s0 =	simm.s32 $0x8  }
0x145: {  	[hbm4b:s14+s3] =	stream.linear.scatter [tilespmem:s21], [sflag:$0x5], $0x6000, $0x38;
	[tilespmem:$0x18100] =	vst v63  }
0x146: {  	_ =	swait.ge [sflag:s0], $0x6000  }
0x147: {  	[sflag:s0] =	ssyncset.done $0x0  }
0x148: {  	[sflag:s0] =	ssyncadd.s32 $0xFFFFA000  }
0x149: {  	v3 =	vld [tilespmem:$0xE0];
	_ =	sdelay $0x4  }
0x14a: {  	v62 =	vshrl.u32 v3, $0x3  }
0x14b: {  	v4 =	vmul.u32 $0x30, v62  }
0x14c: {  	v3 =	vand.u32 $0x7, v3  }
0x14d: {  	v3 =	vor.u32 v3, v4  }
0x14e: {  	v4 =	vperm.xlane v3, v0;
	_ =	sdelay $0x1  }
0x14f: {  	v4 =	vadd.s32 v1, v4;
	_ =	sdelay $0x3  }
0x150: {  	v3 =	vperm.xlane v3, v2  }
0x151: {  	[tilespmem:s8], [sflag:$0x4] =	stream.indirect_vreg.gather [hbm4b:s1+s3], $0x80, v4, vm0, $0xb8;
	[tilespmem:$0x18100] =	vst v63  }
0x152: {  	s20 =	simm.s32 $0x12900;
	v3 =	vadd.s32 v1, v3  }
0x153: {  	[tilespmem:s20], [sflag:$0x4] =	stream.indirect_vreg.gather [hbm4b:s5+s3], $0x80, v4, vm0, $0xb8;
	[tilespmem:$0x18100] =	vst v63  }
0x154: {  	s24 =	simm.s32 $0x13100  }
0x155: {  	[tilespmem:s24], [sflag:$0x4] =	stream.indirect_vreg.gather [hbm4b:s6+s3], $0x80, v4, vm0, $0xb8;
	[tilespmem:$0x18100] =	vst v63  }
0x156: {  	s19 =	simm.s32 $0x13900  }
0x157: {  	[tilespmem:s19], [sflag:$0x4] =	stream.indirect_vreg.gather [hbm4b:s1+s3], $0x80, v3, vm0, $0xb8;
	[tilespmem:$0x18100] =	vst v63  }
0x158: {  	s20 =	simm.s32 $0x14100  }
0x159: {  	[tilespmem:s20], [sflag:$0x4] =	stream.indirect_vreg.gather [hbm4b:s5+s3], $0x80, v3, vm0, $0xb8;
	[tilespmem:$0x18100] =	vst v63  }
0x15a: {  	s24 =	simm.s32 $0x14900  }
0x15b: {  	[tilespmem:s24], [sflag:$0x4] =	stream.indirect_vreg.gather [hbm4b:s6+s3], $0x80, v3, vm0, $0xb8;
	[tilespmem:$0x18100] =	vst v63  }
0x15c: {  	v3 =	vld [tilespmem:$0xF0];
	_ =	sdelay $0x4  }
0x15d: {  	v63 =	vshrl.u32 v3, $0x3  }
0x15e: {  	v4 =	vmul.u32 $0x30, v63  }
0x15f: {  	v3 =	vand.u32 $0x7, v3  }
0x160: {  	v3 =	vor.u32 v3, v4  }
0x161: {  	v4 =	vperm.xlane v3, v0;
	_ =	sdelay $0x1  }
0x162: {  	v4 =	vadd.s32 v1, v4;
	_ =	sdelay $0x3  }
0x163: {  	s19 =	simm.s32 $0x15100;
	v3 =	vperm.xlane v3, v2  }
0x164: {  	[tilespmem:s19], [sflag:$0x4] =	stream.indirect_vreg.gather [hbm4b:s1+s3], $0x80, v4, vm0, $0xb8;
	[tilespmem:$0x18100] =	vst v63  }
0x165: {  	s20 =	simm.s32 $0x15900;
	v3 =	vadd.s32 v1, v3  }
0x166: {  	[tilespmem:s20], [sflag:$0x4] =	stream.indirect_vreg.gather [hbm4b:s5+s3], $0x80, v4, vm0, $0xb8;
	[tilespmem:$0x18100] =	vst v63  }
0x167: {  	s24 =	simm.s32 $0x16100  }
0x168: {  	[tilespmem:s24], [sflag:$0x4] =	stream.indirect_vreg.gather [hbm4b:s6+s3], $0x80, v4, vm0, $0xb8;
	[tilespmem:$0x18100] =	vst v63  }
0x169: {  	s19 =	simm.s32 $0x16900  }
0x16a: {  	[tilespmem:s19], [sflag:$0x4] =	stream.indirect_vreg.gather [hbm4b:s1+s3], $0x80, v3, vm0, $0xb8;
	[tilespmem:$0x18100] =	vst v63  }
0x16b: {  	s20 =	simm.s32 $0x17100  }
0x16c: {  	[tilespmem:s20], [sflag:$0x4] =	stream.indirect_vreg.gather [hbm4b:s5+s3], $0x80, v3, vm0, $0xb8;
	[tilespmem:$0x18100] =	vst v63  }
0x16d: {  	s24 =	simm.s32 $0x17900  }
0x16e: {  	[tilespmem:s24], [sflag:$0x4] =	stream.indirect_vreg.gather [hbm4b:s6+s3], $0x80, v3, vm0, $0xb8;
	[tilespmem:$0x18100] =	vst v63  }
0x16f: {  	_ =	swait.ge [sflag:s2], $0x6000  }
0x170: {  	[sflag:s2] =	ssyncset.done $0x0  }
0x171: {  	s14 =	rddreg [dreg:$0x9];
	[sflag:s2] =	ssyncadd.s32 $0xFFFFA000  }
0x172: {  	[hbm4b:s14+s3] =	stream.linear.scatter [tilespmem:s12], [sflag:$0x6], $0x6000, $0x38;
	[tilespmem:$0x18100] =	vst v63  }
0x173: {  	_ =	swait.ge [sflag:s9], $0x6000  }
0x174: {  	[sflag:s9] =	ssyncset.done $0x0  }
0x175: {  	s20 =	rddreg [dreg:$0xa];
	[sflag:s9] =	ssyncadd.s32 $0xFFFFA000  }
0x176: {  	[hbm4b:s20+s3] =	stream.linear.scatter [tilespmem:s18], [sflag:$0x7], $0x6000, $0x38;
	[tilespmem:$0x18100] =	vst v63  }
0x177: {  	_ =	swait.ge [sflag:s11], $0x6000  }
0x178: {  	[sflag:s11] =	ssyncset.done $0x0  }
0x179: {  	s24 =	rddreg [dreg:$0xb];
	[sflag:s11] =	ssyncadd.s32 $0xFFFFA000  }
0x17a: {  	[hbm4b:s24+s3] =	stream.linear.scatter [tilespmem:s8], [sflag:$0x8], $0x6000, $0x38;
	[tilespmem:$0x18100] =	vst v63  }
0x17b: {  	_ =	swait.ge [sflag:s4], $0x6000  }
0x17c: {  	[sflag:s4] =	ssyncset.done $0x0  }
0x17d: {  	[sflag:s4] =	ssyncadd.s32 $0xFFFFA000  }
0x17e: {  	_ =	swait.ge [sflag:s10], $0x6000  }
0x17f: {  	[sflag:s10] =	ssyncset.done $0x0  }
0x180: {  	[sflag:s10] =	ssyncadd.s32 $0xFFFFA000  }
0x181: {  	p0 =	sne.s32 s7, $0x1;
	_ =	swait.ge [sflag:s13], $0x6000  }
.Ltmp0:
0x182: {  	[sflag:s13] =	ssyncset.done $0x0;
	(pc) =	sbr.rel @p0 .LBB2_1-.Ltmp0, $4  }
0x183: {  	[sflag:s13] =	ssyncadd.s32 $0xFFFFA000  }
0x184: {  	_ =	swait.ge [sflag:s0], $0x6000  }
0x185: {  	[sflag:s0] =	ssyncset.done $0x0  }
0x186: {  	s7 =	sadd.s32 $0xFFFFFFFF, s7;
	[sflag:s0] =	ssyncadd.s32 $0xFFFFA000  }
0x187: {  	_ =	sfence.sel $0x180000  }
0x188: {  	[bflag:$0x0] =	sbarrier.arrive $0xFFFF  }
0x189: {  	_ =	strace $0x90000047  }
0x18a: {  	s0 =	stileid.u32;
	[bflag:$0x2] =	sbarrier.arrive $0xFFFF  }
0x18b: {  	p0 =	sne.s32 s0, $0x0;
	s0 =	rddreg [dreg:$0x3]  }
0x18c: {  	s0 =	sadd.s32 @!p0 $0x100000, s0  }
0x18d: {  	[sflag:s0] =	ssyncadd.tile.s32 @!p0 $0x1;
	_ =	shalt  }
.Lfunc_end2:
_tile_overlayer_lowered:
.L_overlay_start_2:
0x18e: {  	(tag) =	ssettag $0x2  }
0x18f: {  	s0 =	rddreg [dreg:$0x0];
	s2 =	stileid.u32  }
0x190: {  	s1 =	rddreg [dreg:$0x1];
	p0 =	sne.s32 s2, $0x0  }
0x191: {  	s3 =	rddreg [dreg:$0x2];
	[bflag:$0x3] =	sbarrier.arrive $0xFFFF;
	s2 =	simm.s32 @!p0 $0x1C09  }
0x192: {  	[timem:s3], [sflag:s2] =	dma.local @!p0 [hbm:s0], s1  }
0x193: {  	s0 =	simm.s32 @!p0 $0x9  }
0x194: {  	_ =	swait.ge @!p0 [sflag:s0], s1  }
0x195: {  	s1 =	ssub.s32 @!p0 $0x0, s1;
	[sflag:s0] =	ssyncset.done @!p0 $0x0  }
0x196: {  	[sflag:s0] =	ssyncadd.s32 @!p0 s1  }
0x197: {  	[bflag:$0x3] =	sbarrier.arrive $0xFFFF  }
0x198: {  	_ =	shalt  }

</sc_bundles>
